<compile_context>
chip_gen: v7x
topology: tpu7x:2x2x1
jax: 0.10.2.dev20260603
libtpu: 0.0.44.dev20260713+nightly
codegen_flags: <defaults>
</compile_context>

<pallas_src>
import functools

import jax
import jax.numpy as jnp
from jax import lax
from jax.experimental import pallas as pl
from jax.experimental.pallas import tpu as pltpu
from jax.experimental.pallas import tpu_sc as plsc

D = 128
S = 50
NB = 4096
SCALE_F = 10.0
NC, NS, L = 2, 16, 16
NW = NC * NS
SPAN = S * NB // NW
CH = 128
NCHUNK = SPAN // CH


def _sc_gather_scale(table, idx_flat):
    mesh = plsc.VectorSubcoreMesh(core_axis_name="c", subcore_axis_name="s")

    @functools.partial(
        pl.kernel,
        mesh=mesh,
        out_type=jax.ShapeDtypeStruct((S, NB, D), jnp.float32),
        scratch_types=[
            pltpu.VMEM((SPAN,), jnp.int32),
            pltpu.VMEM((CH, D), jnp.float32),
            pltpu.VMEM((CH, D), jnp.float32),
            pltpu.VMEM((CH, D), jnp.float32),
            pltpu.VMEM((CH, D), jnp.float32),
            pltpu.VMEM((CH, D), jnp.float32),
            pltpu.VMEM((CH, D), jnp.float32),
            pltpu.SemaphoreType.DMA,
            pltpu.SemaphoreType.DMA,
            pltpu.SemaphoreType.DMA,
            pltpu.SemaphoreType.DMA,
            pltpu.SemaphoreType.DMA,
            pltpu.SemaphoreType.DMA,
        ],
    )
    def k(table_hbm, idx_hbm, out_hbm, idx_v, g0, g1, g2, o0, o1, o2,
          gsem0, gsem1, gsem2, osem0, osem1, osem2):
        wid = lax.axis_index("s") * NC + lax.axis_index("c")
        g_base = wid * SPAN

        pltpu.sync_copy(idx_hbm.at[pl.ds(g_base, SPAN)], idx_v)

        gbufs, obufs = (g0, g1, g2), (o0, o1, o2)
        gsems, osems = (gsem0, gsem1, gsem2), (osem0, osem1, osem2)

        def gather(c, buf, sem):
            pltpu.async_copy(
                table_hbm.at[idx_v.at[pl.ds(c * CH, CH)]], buf, sem)

        def out_slice(c):
            g = g_base + c * CH
            return out_hbm.at[g // NB, pl.ds(g % NB, CH)]

        gather(0, g0, gsem0)
        gather(1, g1, gsem1)

        NGRP = (NCHUNK + 2) // 3

        def step(c0, _):
            for b in range(3):
                c = c0 + b
                gbuf, obuf = gbufs[b], obufs[b]
                gsem, osem = gsems[b], osems[b]

                @pl.when(c < NCHUNK)
                def _():
                    pltpu.make_async_copy(
                        table_hbm.at[idx_v.at[pl.ds(0, CH)]], gbuf,
                        gsem).wait()

                    @pl.when(c + 2 < NCHUNK)
                    def _():
                        gather(c + 2, gbufs[(b + 2) % 3],
                               gsems[(b + 2) % 3])

                    @pl.when(c >= 3)
                    def _():
                        pltpu.make_async_copy(
                            obuf, out_slice(c), osem).wait()

                    @plsc.parallel_loop(0, CH, unroll=8)
                    def _(r):
                        for j in range(D // L):
                            s = pl.ds(j * L, L)
                            obuf[r, s] = gbuf[r, s] * SCALE_F

                    pltpu.async_copy(obuf, out_slice(c), osem)
            return ()

        lax.fori_loop(0, NGRP, lambda i, a: step(i * 3, a), ())

        for c in range(NCHUNK - 3, NCHUNK):
            pltpu.make_async_copy(
                obufs[c % 3], out_slice(c), osems[c % 3]).wait()

    return k(table, idx_flat)


def kernel(x, weight):
    idx_flat = jnp.transpose(x.astype(jnp.int32)).reshape(-1)
    out_t = _sc_gather_scale(weight, idx_flat)
    return jnp.transpose(out_t, (1, 0, 2))

# --- scband reference (transcript-rebuilt; emitter-appended) ---
"""Pipeline reference for scband-scaled-embedding-9053791060535 (READ-ONLY COPY).

The authoritative reference and input builder live on the scoring server;
editing this copy changes nothing except your own understanding.
"""

import jax, jax.numpy as jnp
import numpy as np

NUM_EMBEDDINGS = 100000
EMBEDDING_DIM = 128
SCALE = 10.0


def setup_inputs(seed: int = 0) -> dict:
    key = jax.random.key(seed)
    k1, k2 = jax.random.split(key)
    x = jax.random.randint(k1, (4096, 50), 0, NUM_EMBEDDINGS, dtype=jnp.int64 if jax.config.read('jax_enable_x64') else jnp.int32)
    # torch nn.Embedding initializes weights ~ N(0, 1); module then divides by scale
    weight = jax.random.normal(k2, (NUM_EMBEDDINGS, EMBEDDING_DIM), dtype=jnp.float32) / SCALE
    return {"x": x, "weight": weight}


def reference(x, weight):
    # ScaledEmbedding.forward: embedding lookup then multiply by scale
    out = jnp.take(weight, x, axis=0) * SCALE
    return out

if __name__ == "__main__":
    import jax
    _d = setup_inputs()
    print(jax.jit(kernel)(*tuple(_d.values())))

</pallas_src>

<mosaic_0001>
#map = affine_map<(d0, d1) -> (0, 0)>
#map1 = affine_map<(d0, d1) -> (0)>
#map2 = affine_map<(d0, d1) -> (0, 0, 0)>
module attributes {stable_mosaic.version = 14 : i64} {
  func.func @k(%arg0: i32, %arg1: i32, %arg2: memref<100000x128xf32, #tpu.memory_space<hbm>>, %arg3: memref<204800xi32, #tpu.memory_space<hbm>>, %arg4: memref<50x4096x128xf32, #tpu.memory_space<hbm>>, %arg5: memref<6400xi32, #tpu.memory_space<vmem>>, %arg6: memref<128x128xf32, #tpu.memory_space<vmem>>, %arg7: memref<128x128xf32, #tpu.memory_space<vmem>>, %arg8: memref<128x128xf32, #tpu.memory_space<vmem>>, %arg9: memref<128x128xf32, #tpu.memory_space<vmem>>, %arg10: memref<128x128xf32, #tpu.memory_space<vmem>>, %arg11: memref<128x128xf32, #tpu.memory_space<vmem>>, %arg12: memref<!tpu.dma_semaphore, #tpu.memory_space<semaphore_mem>>, %arg13: memref<!tpu.dma_semaphore, #tpu.memory_space<semaphore_mem>>, %arg14: memref<!tpu.dma_semaphore, #tpu.memory_space<semaphore_mem>>, %arg15: memref<!tpu.dma_semaphore, #tpu.memory_space<semaphore_mem>>, %arg16: memref<!tpu.dma_semaphore, #tpu.memory_space<semaphore_mem>>, %arg17: memref<!tpu.dma_semaphore, #tpu.memory_space<semaphore_mem>>) attributes {dimension_semantics = [#tpu.dimension_semantics<core_parallel>, #tpu.dimension_semantics<subcore_parallel>], iteration_bounds = array<i64: 2, 16>, scalar_prefetch = 0 : i64, scratch_operands = 13 : i64, tpu.core_type = #tpu.core_type<sc_vector_subcore>, window_params = [{transform_indices = #map}, {transform_indices = #map1}, {transform_indices = #map2}]} {
    %mul3A = arith.constant 2 : i32
    %mul3A_0 = arith.muli %arg1, %mul3A : i32
    %add3A = arith.addi %mul3A_0, %arg0 : i32
    %mul3A_1 = arith.constant 6400 : i32
    %mul3A_2 = arith.muli %add3A, %mul3A_1 : i32
    "tpu.region"() ({
      %run_scoped3A = tpu.sem_alloc : memref<!tpu.dma_semaphore, #tpu.memory_space<semaphore_mem>>
      %dma_start3A_149 = tpu.memref_slice %arg3[%mul3A_2] : memref<204800xi32, #tpu.memory_space<hbm>> -> memref<6400xi32, #tpu.memory_space<hbm>>
      %dma_start3A_150 = tpu.memref_slice %arg3[%mul3A_2] : memref<204800xi32, #tpu.memory_space<hbm>> -> memref<6400xi32, #tpu.memory_space<hbm>>
      tpu.enqueue_dma source(%dma_start3A_150 : memref<6400xi32, #tpu.memory_space<hbm>>) target(%arg5 : memref<6400xi32, #tpu.memory_space<vmem>>) target_semaphore(%run_scoped3A : memref<!tpu.dma_semaphore, #tpu.memory_space<semaphore_mem>>)
      %dma_wait3A_151 = tpu.memref_slice %arg3[%mul3A_2] : memref<204800xi32, #tpu.memory_space<hbm>> -> memref<6400xi32, #tpu.memory_space<hbm>>
      %dma_wait3A_152 = tpu.memref_slice %arg3[%mul3A_2] : memref<204800xi32, #tpu.memory_space<hbm>> -> memref<6400xi32, #tpu.memory_space<hbm>>
      tpu.wait_dma2 semaphore(%run_scoped3A : memref<!tpu.dma_semaphore, #tpu.memory_space<semaphore_mem>>) src(%dma_wait3A_152 : memref<6400xi32, #tpu.memory_space<hbm>>) dst(%arg5 : memref<6400xi32, #tpu.memory_space<vmem>>)
      tpu.yield
    }) : () -> ()
    %dma_start3A = arith.constant 0 : i32
    %dma_start3A_3 = tpu.memref_slice %arg5[%dma_start3A] : memref<6400xi32, #tpu.memory_space<vmem>> -> memref<128xi32, #tpu.memory_space<vmem>>
    %dma_start3A_4 = arith.constant 0 : i32
    %dma_start3A_5 = arith.constant 0 : i32
    %dma_start3A_6 = tpu.memref_slice %arg2[%dma_start3A_4, %dma_start3A_5] : memref<100000x128xf32, #tpu.memory_space<hbm>> -> memref<100000x128xf32, #tpu.memory_space<hbm>>
    tpu.enqueue_indirect_dma source(%dma_start3A_6 : memref<100000x128xf32, #tpu.memory_space<hbm>>) target(%arg6 : memref<128x128xf32, #tpu.memory_space<vmem>>) offsets(%dma_start3A_3 : memref<128xi32, #tpu.memory_space<vmem>>) semaphore(%arg12 : memref<!tpu.dma_semaphore, #tpu.memory_space<semaphore_mem>>)
    %dma_start3A_7 = arith.constant 128 : i32
    %dma_start3A_8 = tpu.memref_slice %arg5[%dma_start3A_7] : memref<6400xi32, #tpu.memory_space<vmem>> -> memref<128xi32, #tpu.memory_space<vmem>>
    %dma_start3A_9 = arith.constant 0 : i32
    %dma_start3A_10 = arith.constant 0 : i32
    %dma_start3A_11 = tpu.memref_slice %arg2[%dma_start3A_9, %dma_start3A_10] : memref<100000x128xf32, #tpu.memory_space<hbm>> -> memref<100000x128xf32, #tpu.memory_space<hbm>>
    tpu.enqueue_indirect_dma source(%dma_start3A_11 : memref<100000x128xf32, #tpu.memory_space<hbm>>) target(%arg7 : memref<128x128xf32, #tpu.memory_space<vmem>>) offsets(%dma_start3A_8 : memref<128xi32, #tpu.memory_space<vmem>>) semaphore(%arg13 : memref<!tpu.dma_semaphore, #tpu.memory_space<semaphore_mem>>)
    %scan3A = arith.constant 0 : i32
    %scan3A_12 = arith.constant 17 : i32
    %scan3A_13 = arith.addi %scan3A, %scan3A_12 : i32
    %scan3A_14 = arith.constant 1 : i32
    scf.for %scan3A_149 = %scan3A to %scan3A_13 step %scan3A_14  : i32 {
      %mul3A_150 = arith.constant 3 : i32
      %mul3A_151 = arith.muli %scan3A_149, %mul3A_150 : i32
      %add3A_152 = arith.constant 0 : i32
      %add3A_153 = arith.addi %mul3A_151, %add3A_152 : i32
      %lt3A_154 = arith.constant 50 : i32
      %lt3A_155 = arith.cmpi slt, %add3A_153, %lt3A_154 : i32
      %convert_element_type3A = arith.extui %lt3A_155 : i1 to i32
      %cond3A = arith.constant 0 : i32
      %cond3A_156 = arith.cmpi ne, %convert_element_type3A, %cond3A : i32
      scf.if %cond3A_156 {
        %dma_wait3A_171 = arith.constant 0 : i32
        %dma_wait3A_172 = tpu.memref_slice %arg5[%dma_wait3A_171] : memref<6400xi32, #tpu.memory_space<vmem>> -> memref<128xi32, #tpu.memory_space<vmem>>
        %dma_wait3A_173 = arith.constant 0 : i32
        %dma_wait3A_174 = arith.constant 0 : i32
        %dma_wait3A_175 = tpu.memref_slice %arg2[%dma_wait3A_173, %dma_wait3A_174] : memref<100000x128xf32, #tpu.memory_space<hbm>> -> memref<100000x128xf32, #tpu.memory_space<hbm>>
        tpu.wait_indirect_dma semaphore(%arg12 : memref<!tpu.dma_semaphore, #tpu.memory_space<semaphore_mem>>) src(%dma_wait3A_175 : memref<100000x128xf32, #tpu.memory_space<hbm>>) dst(%arg6 : memref<128x128xf32, #tpu.memory_space<vmem>>)
        %add3A_176 = arith.constant 2 : i32
        %add3A_177 = arith.addi %add3A_153, %add3A_176 : i32
        %lt3A_178 = arith.constant 50 : i32
        %lt3A_179 = arith.cmpi slt, %add3A_177, %lt3A_178 : i32
        %convert_element_type3A_180 = arith.extui %lt3A_179 : i1 to i32
        %cond3A_181 = arith.constant 0 : i32
        %cond3A_182 = arith.cmpi ne, %convert_element_type3A_180, %cond3A_181 : i32
        scf.if %cond3A_182 {
          %add3A_238 = arith.constant 2 : i32
          %add3A_239 = arith.addi %add3A_153, %add3A_238 : i32
          %mul3A_240 = arith.constant 128 : i32
          %mul3A_241 = arith.muli %add3A_239, %mul3A_240 : i32
          %dma_start3A_242 = tpu.memref_slice %arg5[%mul3A_241] : memref<6400xi32, #tpu.memory_space<vmem>> -> memref<128xi32, #tpu.memory_space<vmem>>
          %dma_start3A_243 = arith.constant 0 : i32
          %dma_start3A_244 = arith.constant 0 : i32
          %dma_start3A_245 = tpu.memref_slice %arg2[%dma_start3A_243, %dma_start3A_244] : memref<100000x128xf32, #tpu.memory_space<hbm>> -> memref<100000x128xf32, #tpu.memory_space<hbm>>
          tpu.enqueue_indirect_dma source(%dma_start3A_245 : memref<100000x128xf32, #tpu.memory_space<hbm>>) target(%arg8 : memref<128x128xf32, #tpu.memory_space<vmem>>) offsets(%dma_start3A_242 : memref<128xi32, #tpu.memory_space<vmem>>) semaphore(%arg14 : memref<!tpu.dma_semaphore, #tpu.memory_space<semaphore_mem>>)
        } else {
        }
        %ge3A = arith.constant 3 : i32
        %ge3A_183 = arith.cmpi sge, %add3A_153, %ge3A : i32
        %convert_element_type3A_184 = arith.extui %ge3A_183 : i1 to i32
        %cond3A_185 = arith.constant 0 : i32
        %cond3A_186 = arith.cmpi ne, %convert_element_type3A_184, %cond3A_185 : i32
        scf.if %cond3A_186 {
          %mul3A_238 = arith.constant 128 : i32
          %mul3A_239 = arith.muli %add3A_153, %mul3A_238 : i32
          %add3A_240 = arith.addi %mul3A_2, %mul3A_239 : i32
          %jit3A_241 = arith.constant 4096 : i32
          %div3A_242 = arith.divsi %add3A_240, %jit3A_241 : i32
          %sign3A_243 = arith.constant 0 : i32
          %sign3A_244 = arith.cmpi sgt, %add3A_240, %sign3A_243 : i32
          %sign3A_245 = arith.extui %sign3A_244 : i1 to i32
          %sign3A_246 = arith.constant 0 : i32
          %sign3A_247 = arith.cmpi slt, %add3A_240, %sign3A_246 : i32
          %sign3A_248 = arith.extui %sign3A_247 : i1 to i32
          %sign3A_249 = arith.subi %sign3A_245, %sign3A_248 : i32
          %sign3A_250 = arith.constant 0 : i32
          %sign3A_251 = arith.cmpi sgt, %jit3A_241, %sign3A_250 : i32
          %sign3A_252 = arith.extui %sign3A_251 : i1 to i32
          %sign3A_253 = arith.constant 0 : i32
          %sign3A_254 = arith.cmpi slt, %jit3A_241, %sign3A_253 : i32
          %sign3A_255 = arith.extui %sign3A_254 : i1 to i32
          %sign3A_256 = arith.subi %sign3A_252, %sign3A_255 : i32
          %ne3A_257 = arith.cmpi ne, %sign3A_249, %sign3A_256 : i32
          %rem3A_258 = arith.remsi %add3A_240, %jit3A_241 : i32
          %ne3A_259 = arith.constant 0 : i32
          %ne3A_260 = arith.cmpi ne, %rem3A_258, %ne3A_259 : i32
          %and3A_261 = arith.andi %ne3A_257, %ne3A_260 : i1
          %sub3A_262 = arith.constant 1 : i32
          %sub3A_263 = arith.subi %div3A_242, %sub3A_262 : i32
          %select_n3A_264 = arith.select %and3A_261, %sub3A_263, %div3A_242 : i32
          %jit3A_265 = arith.constant 4096 : i32
          %eq3A_266 = arith.constant 0 : i32
          %eq3A_267 = arith.cmpi eq, %jit3A_265, %eq3A_266 : i32
          %jit3A_268 = arith.constant 1 : i32
          %select_n3A_269 = arith.select %eq3A_267, %jit3A_268, %jit3A_265 : i32
          %rem3A_270 = arith.remsi %add3A_240, %select_n3A_269 : i32
          %ne3A_271 = arith.constant 0 : i32
          %ne3A_272 = arith.cmpi ne, %rem3A_270, %ne3A_271 : i32
          %lt3A_273 = arith.constant 0 : i32
          %lt3A_274 = arith.cmpi slt, %rem3A_270, %lt3A_273 : i32
          %lt3A_275 = arith.constant 0 : i32
          %lt3A_276 = arith.cmpi slt, %select_n3A_269, %lt3A_275 : i32
          %ne3A_277 = arith.xori %lt3A_274, %lt3A_276 : i1
          %and3A_278 = arith.andi %ne3A_277, %ne3A_272 : i1
          %add3A_279 = arith.addi %rem3A_270, %select_n3A_269 : i32
          %select_n3A_280 = arith.select %and3A_278, %add3A_279, %rem3A_270 : i32
          %dma_wait3A_281 = arith.constant 0 : i32
          %dma_wait3A_282 = tpu.memref_slice %arg4[%select_n3A_264, %select_n3A_280, %dma_wait3A_281] : memref<50x4096x128xf32, #tpu.memory_space<hbm>> -> memref<1x128x128xf32, #tpu.memory_space<hbm>>
          %dma_wait3A_283 = tpu.memref_squeeze %dma_wait3A_282 : memref<1x128x128xf32, #tpu.memory_space<hbm>> -> memref<128x128xf32, #tpu.memory_space<hbm>>
          %dma_wait3A_284 = arith.constant 0 : i32
          %dma_wait3A_285 = tpu.memref_slice %arg4[%select_n3A_264, %select_n3A_280, %dma_wait3A_284] : memref<50x4096x128xf32, #tpu.memory_space<hbm>> -> memref<1x128x128xf32, #tpu.memory_space<hbm>>
          %dma_wait3A_286 = tpu.memref_squeeze %dma_wait3A_285 : memref<1x128x128xf32, #tpu.memory_space<hbm>> -> memref<128x128xf32, #tpu.memory_space<hbm>>
          tpu.wait_dma2 semaphore(%arg15 : memref<!tpu.dma_semaphore, #tpu.memory_space<semaphore_mem>>) src(%arg9 : memref<128x128xf32, #tpu.memory_space<vmem>>) dst(%dma_wait3A_286 : memref<128x128xf32, #tpu.memory_space<hbm>>)
        } else {
        }
        %parallel_loop3A = arith.constant 0 : i32
        %parallel_loop3A_187 = arith.constant 128 : i32
        %parallel_loop3A_188 = arith.constant 1 : i32
        scf.for %parallel_loop3A_238 = %parallel_loop3A to %parallel_loop3A_187 step %parallel_loop3A_188  : i32 {
          %parallel_loop3A_239 = arith.index_cast %parallel_loop3A_238 : i32 to index
          %parallel_loop3A_240 = arith.constant 0 : index
          %parallel_loop3A_241 = tpu.vector_load %arg6[%parallel_loop3A_239, %parallel_loop3A_240] {strides = array<i32>} : memref<128x128xf32, #tpu.memory_space<vmem>>, vector<1x16xf32>,
          %parallel_loop3A_242 = vector.shape_cast %parallel_loop3A_241 : vector<1x16xf32> to vector<16xf32>
          %parallel_loop3A_243 = arith.constant 1.000000e+01 : f32
          %parallel_loop3A_244 = vector.broadcast %parallel_loop3A_243 : f32 to vector<16xf32>
          %parallel_loop3A_245 = arith.mulf %parallel_loop3A_242, %parallel_loop3A_244 : vector<16xf32>
          %parallel_loop3A_246 = arith.index_cast %parallel_loop3A_238 : i32 to index
          %parallel_loop3A_247 = arith.constant 0 : index
          %parallel_loop3A_248 = tpu.vector_load %arg9[%parallel_loop3A_246, %parallel_loop3A_247] {strides = array<i32>} : memref<128x128xf32, #tpu.memory_space<vmem>>, vector<1x16xf32>,
          %parallel_loop3A_249 = vector.shape_cast %parallel_loop3A_248 : vector<1x16xf32> to vector<16xf32>
          %parallel_loop3A_250 = vector.shape_cast %parallel_loop3A_245 : vector<16xf32> to vector<1x16xf32>
          tpu.vector_store %arg9[%parallel_loop3A_246, %parallel_loop3A_247], %parallel_loop3A_250 {strides = array<i32>} : memref<128x128xf32, #tpu.memory_space<vmem>>, vector<1x16xf32>,
          %parallel_loop3A_251 = arith.index_cast %parallel_loop3A_238 : i32 to index
          %parallel_loop3A_252 = arith.constant 16 : index
          %parallel_loop3A_253 = tpu.vector_load %arg6[%parallel_loop3A_251, %parallel_loop3A_252] {strides = array<i32>} : memref<128x128xf32, #tpu.memory_space<vmem>>, vector<1x16xf32>,
          %parallel_loop3A_254 = vector.shape_cast %parallel_loop3A_253 : vector<1x16xf32> to vector<16xf32>
          %parallel_loop3A_255 = arith.constant 1.000000e+01 : f32
          %parallel_loop3A_256 = vector.broadcast %parallel_loop3A_255 : f32 to vector<16xf32>
          %parallel_loop3A_257 = arith.mulf %parallel_loop3A_254, %parallel_loop3A_256 : vector<16xf32>
          %parallel_loop3A_258 = arith.index_cast %parallel_loop3A_238 : i32 to index
          %parallel_loop3A_259 = arith.constant 16 : index
          %parallel_loop3A_260 = tpu.vector_load %arg9[%parallel_loop3A_258, %parallel_loop3A_259] {strides = array<i32>} : memref<128x128xf32, #tpu.memory_space<vmem>>, vector<1x16xf32>,
          %parallel_loop3A_261 = vector.shape_cast %parallel_loop3A_260 : vector<1x16xf32> to vector<16xf32>
          %parallel_loop3A_262 = vector.shape_cast %parallel_loop3A_257 : vector<16xf32> to vector<1x16xf32>
          tpu.vector_store %arg9[%parallel_loop3A_258, %parallel_loop3A_259], %parallel_loop3A_262 {strides = array<i32>} : memref<128x128xf32, #tpu.memory_space<vmem>>, vector<1x16xf32>,
          %parallel_loop3A_263 = arith.index_cast %parallel_loop3A_238 : i32 to index
          %parallel_loop3A_264 = arith.constant 32 : index
          %parallel_loop3A_265 = tpu.vector_load %arg6[%parallel_loop3A_263, %parallel_loop3A_264] {strides = array<i32>} : memref<128x128xf32, #tpu.memory_space<vmem>>, vector<1x16xf32>,
          %parallel_loop3A_266 = vector.shape_cast %parallel_loop3A_265 : vector<1x16xf32> to vector<16xf32>
          %parallel_loop3A_267 = arith.constant 1.000000e+01 : f32
          %parallel_loop3A_268 = vector.broadcast %parallel_loop3A_267 : f32 to vector<16xf32>
          %parallel_loop3A_269 = arith.mulf %parallel_loop3A_266, %parallel_loop3A_268 : vector<16xf32>
          %parallel_loop3A_270 = arith.index_cast %parallel_loop3A_238 : i32 to index
          %parallel_loop3A_271 = arith.constant 32 : index
          %parallel_loop3A_272 = tpu.vector_load %arg9[%parallel_loop3A_270, %parallel_loop3A_271] {strides = array<i32>} : memref<128x128xf32, #tpu.memory_space<vmem>>, vector<1x16xf32>,
          %parallel_loop3A_273 = vector.shape_cast %parallel_loop3A_272 : vector<1x16xf32> to vector<16xf32>
          %parallel_loop3A_274 = vector.shape_cast %parallel_loop3A_269 : vector<16xf32> to vector<1x16xf32>
          tpu.vector_store %arg9[%parallel_loop3A_270, %parallel_loop3A_271], %parallel_loop3A_274 {strides = array<i32>} : memref<128x128xf32, #tpu.memory_space<vmem>>, vector<1x16xf32>,
          %parallel_loop3A_275 = arith.index_cast %parallel_loop3A_238 : i32 to index
          %parallel_loop3A_276 = arith.constant 48 : index
          %parallel_loop3A_277 = tpu.vector_load %arg6[%parallel_loop3A_275, %parallel_loop3A_276] {strides = array<i32>} : memref<128x128xf32, #tpu.memory_space<vmem>>, vector<1x16xf32>,
          %parallel_loop3A_278 = vector.shape_cast %parallel_loop3A_277 : vector<1x16xf32> to vector<16xf32>
          %parallel_loop3A_279 = arith.constant 1.000000e+01 : f32
          %parallel_loop3A_280 = vector.broadcast %parallel_loop3A_279 : f32 to vector<16xf32>
          %parallel_loop3A_281 = arith.mulf %parallel_loop3A_278, %parallel_loop3A_280 : vector<16xf32>
          %parallel_loop3A_282 = arith.index_cast %parallel_loop3A_238 : i32 to index
          %parallel_loop3A_283 = arith.constant 48 : index
          %parallel_loop3A_284 = tpu.vector_load %arg9[%parallel_loop3A_282, %parallel_loop3A_283] {strides = array<i32>} : memref<128x128xf32, #tpu.memory_space<vmem>>, vector<1x16xf32>,
          %parallel_loop3A_285 = vector.shape_cast %parallel_loop3A_284 : vector<1x16xf32> to vector<16xf32>
          %parallel_loop3A_286 = vector.shape_cast %parallel_loop3A_281 : vector<16xf32> to vector<1x16xf32>
          tpu.vector_store %arg9[%parallel_loop3A_282, %parallel_loop3A_283], %parallel_loop3A_286 {strides = array<i32>} : memref<128x128xf32, #tpu.memory_space<vmem>>, vector<1x16xf32>,
          %parallel_loop3A_287 = arith.index_cast %parallel_loop3A_238 : i32 to index
          %parallel_loop3A_288 = arith.constant 64 : index
          %parallel_loop3A_289 = tpu.vector_load %arg6[%parallel_loop3A_287, %parallel_loop3A_288] {strides = array<i32>} : memref<128x128xf32, #tpu.memory_space<vmem>>, vector<1x16xf32>,
          %parallel_loop3A_290 = vector.shape_cast %parallel_loop3A_289 : vector<1x16xf32> to vector<16xf32>
          %parallel_loop3A_291 = arith.constant 1.000000e+01 : f32
          %parallel_loop3A_292 = vector.broadcast %parallel_loop3A_291 : f32 to vector<16xf32>
          %parallel_loop3A_293 = arith.mulf %parallel_loop3A_290, %parallel_loop3A_292 : vector<16xf32>
          %parallel_loop3A_294 = arith.index_cast %parallel_loop3A_238 : i32 to index
          %parallel_loop3A_295 = arith.constant 64 : index
          %parallel_loop3A_296 = tpu.vector_load %arg9[%parallel_loop3A_294, %parallel_loop3A_295] {strides = array<i32>} : memref<128x128xf32, #tpu.memory_space<vmem>>, vector<1x16xf32>,
          %parallel_loop3A_297 = vector.shape_cast %parallel_loop3A_296 : vector<1x16xf32> to vector<16xf32>
          %parallel_loop3A_298 = vector.shape_cast %parallel_loop3A_293 : vector<16xf32> to vector<1x16xf32>
          tpu.vector_store %arg9[%parallel_loop3A_294, %parallel_loop3A_295], %parallel_loop3A_298 {strides = array<i32>} : memref<128x128xf32, #tpu.memory_space<vmem>>, vector<1x16xf32>,
          %parallel_loop3A_299 = arith.index_cast %parallel_loop3A_238 : i32 to index
          %parallel_loop3A_300 = arith.constant 80 : index
          %parallel_loop3A_301 = tpu.vector_load %arg6[%parallel_loop3A_299, %parallel_loop3A_300] {strides = array<i32>} : memref<128x128xf32, #tpu.memory_space<vmem>>, vector<1x16xf32>,
          %parallel_loop3A_302 = vector.shape_cast %parallel_loop3A_301 : vector<1x16xf32> to vector<16xf32>
          %parallel_loop3A_303 = arith.constant 1.000000e+01 : f32
          %parallel_loop3A_304 = vector.broadcast %parallel_loop3A_303 : f32 to vector<16xf32>
          %parallel_loop3A_305 = arith.mulf %parallel_loop3A_302, %parallel_loop3A_304 : vector<16xf32>
          %parallel_loop3A_306 = arith.index_cast %parallel_loop3A_238 : i32 to index
          %parallel_loop3A_307 = arith.constant 80 : index
          %parallel_loop3A_308 = tpu.vector_load %arg9[%parallel_loop3A_306, %parallel_loop3A_307] {strides = array<i32>} : memref<128x128xf32, #tpu.memory_space<vmem>>, vector<1x16xf32>,
          %parallel_loop3A_309 = vector.shape_cast %parallel_loop3A_308 : vector<1x16xf32> to vector<16xf32>
          %parallel_loop3A_310 = vector.shape_cast %parallel_loop3A_305 : vector<16xf32> to vector<1x16xf32>
          tpu.vector_store %arg9[%parallel_loop3A_306, %parallel_loop3A_307], %parallel_loop3A_310 {strides = array<i32>} : memref<128x128xf32, #tpu.memory_space<vmem>>, vector<1x16xf32>,
          %parallel_loop3A_311 = arith.index_cast %parallel_loop3A_238 : i32 to index
          %parallel_loop3A_312 = arith.constant 96 : index
          %parallel_loop3A_313 = tpu.vector_load %arg6[%parallel_loop3A_311, %parallel_loop3A_312] {strides = array<i32>} : memref<128x128xf32, #tpu.memory_space<vmem>>, vector<1x16xf32>,
          %parallel_loop3A_314 = vector.shape_cast %parallel_loop3A_313 : vector<1x16xf32> to vector<16xf32>
          %parallel_loop3A_315 = arith.constant 1.000000e+01 : f32
          %parallel_loop3A_316 = vector.broadcast %parallel_loop3A_315 : f32 to vector<16xf32>
          %parallel_loop3A_317 = arith.mulf %parallel_loop3A_314, %parallel_loop3A_316 : vector<16xf32>
          %parallel_loop3A_318 = arith.index_cast %parallel_loop3A_238 : i32 to index
          %parallel_loop3A_319 = arith.constant 96 : index
          %parallel_loop3A_320 = tpu.vector_load %arg9[%parallel_loop3A_318, %parallel_loop3A_319] {strides = array<i32>} : memref<128x128xf32, #tpu.memory_space<vmem>>, vector<1x16xf32>,
          %parallel_loop3A_321 = vector.shape_cast %parallel_loop3A_320 : vector<1x16xf32> to vector<16xf32>
          %parallel_loop3A_322 = vector.shape_cast %parallel_loop3A_317 : vector<16xf32> to vector<1x16xf32>
          tpu.vector_store %arg9[%parallel_loop3A_318, %parallel_loop3A_319], %parallel_loop3A_322 {strides = array<i32>} : memref<128x128xf32, #tpu.memory_space<vmem>>, vector<1x16xf32>,
          %parallel_loop3A_323 = arith.index_cast %parallel_loop3A_238 : i32 to index
          %parallel_loop3A_324 = arith.constant 112 : index
          %parallel_loop3A_325 = tpu.vector_load %arg6[%parallel_loop3A_323, %parallel_loop3A_324] {strides = array<i32>} : memref<128x128xf32, #tpu.memory_space<vmem>>, vector<1x16xf32>,
          %parallel_loop3A_326 = vector.shape_cast %parallel_loop3A_325 : vector<1x16xf32> to vector<16xf32>
          %parallel_loop3A_327 = arith.constant 1.000000e+01 : f32
          %parallel_loop3A_328 = vector.broadcast %parallel_loop3A_327 : f32 to vector<16xf32>
          %parallel_loop3A_329 = arith.mulf %parallel_loop3A_326, %parallel_loop3A_328 : vector<16xf32>
          %parallel_loop3A_330 = arith.index_cast %parallel_loop3A_238 : i32 to index
          %parallel_loop3A_331 = arith.constant 112 : index
          %parallel_loop3A_332 = tpu.vector_load %arg9[%parallel_loop3A_330, %parallel_loop3A_331] {strides = array<i32>} : memref<128x128xf32, #tpu.memory_space<vmem>>, vector<1x16xf32>,
          %parallel_loop3A_333 = vector.shape_cast %parallel_loop3A_332 : vector<1x16xf32> to vector<16xf32>
          %parallel_loop3A_334 = vector.shape_cast %parallel_loop3A_329 : vector<16xf32> to vector<1x16xf32>
          tpu.vector_store %arg9[%parallel_loop3A_330, %parallel_loop3A_331], %parallel_loop3A_334 {strides = array<i32>} : memref<128x128xf32, #tpu.memory_space<vmem>>, vector<1x16xf32>,
        } {sc.loop_unroll_factor = 8 : i64, sc.parallel_access}
        %mul3A_189 = arith.constant 128 : i32
        %mul3A_190 = arith.muli %add3A_153, %mul3A_189 : i32
        %add3A_191 = arith.addi %mul3A_2, %mul3A_190 : i32
        %jit3A_192 = arith.constant 4096 : i32
        %div3A_193 = arith.divsi %add3A_191, %jit3A_192 : i32
        %sign3A_194 = arith.constant 0 : i32
        %sign3A_195 = arith.cmpi sgt, %add3A_191, %sign3A_194 : i32
        %sign3A_196 = arith.extui %sign3A_195 : i1 to i32
        %sign3A_197 = arith.constant 0 : i32
        %sign3A_198 = arith.cmpi slt, %add3A_191, %sign3A_197 : i32
        %sign3A_199 = arith.extui %sign3A_198 : i1 to i32
        %sign3A_200 = arith.subi %sign3A_196, %sign3A_199 : i32
        %sign3A_201 = arith.constant 0 : i32
        %sign3A_202 = arith.cmpi sgt, %jit3A_192, %sign3A_201 : i32
        %sign3A_203 = arith.extui %sign3A_202 : i1 to i32
        %sign3A_204 = arith.constant 0 : i32
        %sign3A_205 = arith.cmpi slt, %jit3A_192, %sign3A_204 : i32
        %sign3A_206 = arith.extui %sign3A_205 : i1 to i32
        %sign3A_207 = arith.subi %sign3A_203, %sign3A_206 : i32
        %ne3A_208 = arith.cmpi ne, %sign3A_200, %sign3A_207 : i32
        %rem3A_209 = arith.remsi %add3A_191, %jit3A_192 : i32
        %ne3A_210 = arith.constant 0 : i32
        %ne3A_211 = arith.cmpi ne, %rem3A_209, %ne3A_210 : i32
        %and3A_212 = arith.andi %ne3A_208, %ne3A_211 : i1
        %sub3A_213 = arith.constant 1 : i32
        %sub3A_214 = arith.subi %div3A_193, %sub3A_213 : i32
        %select_n3A_215 = arith.select %and3A_212, %sub3A_214, %div3A_193 : i32
        %jit3A_216 = arith.constant 4096 : i32
        %eq3A_217 = arith.constant 0 : i32
        %eq3A_218 = arith.cmpi eq, %jit3A_216, %eq3A_217 : i32
        %jit3A_219 = arith.constant 1 : i32
        %select_n3A_220 = arith.select %eq3A_218, %jit3A_219, %jit3A_216 : i32
        %rem3A_221 = arith.remsi %add3A_191, %select_n3A_220 : i32
        %ne3A_222 = arith.constant 0 : i32
        %ne3A_223 = arith.cmpi ne, %rem3A_221, %ne3A_222 : i32
        %lt3A_224 = arith.constant 0 : i32
        %lt3A_225 = arith.cmpi slt, %rem3A_221, %lt3A_224 : i32
        %lt3A_226 = arith.constant 0 : i32
        %lt3A_227 = arith.cmpi slt, %select_n3A_220, %lt3A_226 : i32
        %ne3A_228 = arith.xori %lt3A_225, %lt3A_227 : i1
        %and3A_229 = arith.andi %ne3A_228, %ne3A_223 : i1
        %add3A_230 = arith.addi %rem3A_221, %select_n3A_220 : i32
        %select_n3A_231 = arith.select %and3A_229, %add3A_230, %rem3A_221 : i32
        %dma_start3A_232 = arith.constant 0 : i32
        %dma_start3A_233 = tpu.memref_slice %arg4[%select_n3A_215, %select_n3A_231, %dma_start3A_232] : memref<50x4096x128xf32, #tpu.memory_space<hbm>> -> memref<1x128x128xf32, #tpu.memory_space<hbm>>
        %dma_start3A_234 = tpu.memref_squeeze %dma_start3A_233 : memref<1x128x128xf32, #tpu.memory_space<hbm>> -> memref<128x128xf32, #tpu.memory_space<hbm>>
        %dma_start3A_235 = arith.constant 0 : i32
        %dma_start3A_236 = tpu.memref_slice %arg4[%select_n3A_215, %select_n3A_231, %dma_start3A_235] : memref<50x4096x128xf32, #tpu.memory_space<hbm>> -> memref<1x128x128xf32, #tpu.memory_space<hbm>>
        %dma_start3A_237 = tpu.memref_squeeze %dma_start3A_236 : memref<1x128x128xf32, #tpu.memory_space<hbm>> -> memref<128x128xf32, #tpu.memory_space<hbm>>
        tpu.enqueue_dma source(%arg9 : memref<128x128xf32, #tpu.memory_space<vmem>>) target(%dma_start3A_237 : memref<128x128xf32, #tpu.memory_space<hbm>>) target_semaphore(%arg15 : memref<!tpu.dma_semaphore, #tpu.memory_space<semaphore_mem>>)
      } else {
      }
      %add3A_157 = arith.constant 1 : i32
      %add3A_158 = arith.addi %mul3A_151, %add3A_157 : i32
      %lt3A_159 = arith.constant 50 : i32
      %lt3A_160 = arith.cmpi slt, %add3A_158, %lt3A_159 : i32
      %convert_element_type3A_161 = arith.extui %lt3A_160 : i1 to i32
      %cond3A_162 = arith.constant 0 : i32
      %cond3A_163 = arith.cmpi ne, %convert_element_type3A_161, %cond3A_162 : i32
      scf.if %cond3A_163 {
        %dma_wait3A_171 = arith.constant 0 : i32
        %dma_wait3A_172 = tpu.memref_slice %arg5[%dma_wait3A_171] : memref<6400xi32, #tpu.memory_space<vmem>> -> memref<128xi32, #tpu.memory_space<vmem>>
        %dma_wait3A_173 = arith.constant 0 : i32
        %dma_wait3A_174 = arith.constant 0 : i32
        %dma_wait3A_175 = tpu.memref_slice %arg2[%dma_wait3A_173, %dma_wait3A_174] : memref<100000x128xf32, #tpu.memory_space<hbm>> -> memref<100000x128xf32, #tpu.memory_space<hbm>>
        tpu.wait_indirect_dma semaphore(%arg13 : memref<!tpu.dma_semaphore, #tpu.memory_space<semaphore_mem>>) src(%dma_wait3A_175 : memref<100000x128xf32, #tpu.memory_space<hbm>>) dst(%arg7 : memref<128x128xf32, #tpu.memory_space<vmem>>)
        %add3A_176 = arith.constant 2 : i32
        %add3A_177 = arith.addi %add3A_158, %add3A_176 : i32
        %lt3A_178 = arith.constant 50 : i32
        %lt3A_179 = arith.cmpi slt, %add3A_177, %lt3A_178 : i32
        %convert_element_type3A_180 = arith.extui %lt3A_179 : i1 to i32
        %cond3A_181 = arith.constant 0 : i32
        %cond3A_182 = arith.cmpi ne, %convert_element_type3A_180, %cond3A_181 : i32
        scf.if %cond3A_182 {
          %add3A_238 = arith.constant 2 : i32
          %add3A_239 = arith.addi %add3A_158, %add3A_238 : i32
          %mul3A_240 = arith.constant 128 : i32
          %mul3A_241 = arith.muli %add3A_239, %mul3A_240 : i32
          %dma_start3A_242 = tpu.memref_slice %arg5[%mul3A_241] : memref<6400xi32, #tpu.memory_space<vmem>> -> memref<128xi32, #tpu.memory_space<vmem>>
          %dma_start3A_243 = arith.constant 0 : i32
          %dma_start3A_244 = arith.constant 0 : i32
          %dma_start3A_245 = tpu.memref_slice %arg2[%dma_start3A_243, %dma_start3A_244] : memref<100000x128xf32, #tpu.memory_space<hbm>> -> memref<100000x128xf32, #tpu.memory_space<hbm>>
          tpu.enqueue_indirect_dma source(%dma_start3A_245 : memref<100000x128xf32, #tpu.memory_space<hbm>>) target(%arg6 : memref<128x128xf32, #tpu.memory_space<vmem>>) offsets(%dma_start3A_242 : memref<128xi32, #tpu.memory_space<vmem>>) semaphore(%arg12 : memref<!tpu.dma_semaphore, #tpu.memory_space<semaphore_mem>>)
        } else {
        }
        %ge3A = arith.constant 3 : i32
        %ge3A_183 = arith.cmpi sge, %add3A_158, %ge3A : i32
        %convert_element_type3A_184 = arith.extui %ge3A_183 : i1 to i32
        %cond3A_185 = arith.constant 0 : i32
        %cond3A_186 = arith.cmpi ne, %convert_element_type3A_184, %cond3A_185 : i32
        scf.if %cond3A_186 {
          %mul3A_238 = arith.constant 128 : i32
          %mul3A_239 = arith.muli %add3A_158, %mul3A_238 : i32
          %add3A_240 = arith.addi %mul3A_2, %mul3A_239 : i32
          %jit3A_241 = arith.constant 4096 : i32
          %div3A_242 = arith.divsi %add3A_240, %jit3A_241 : i32
          %sign3A_243 = arith.constant 0 : i32
          %sign3A_244 = arith.cmpi sgt, %add3A_240, %sign3A_243 : i32
          %sign3A_245 = arith.extui %sign3A_244 : i1 to i32
          %sign3A_246 = arith.constant 0 : i32
          %sign3A_247 = arith.cmpi slt, %add3A_240, %sign3A_246 : i32
          %sign3A_248 = arith.extui %sign3A_247 : i1 to i32
          %sign3A_249 = arith.subi %sign3A_245, %sign3A_248 : i32
          %sign3A_250 = arith.constant 0 : i32
          %sign3A_251 = arith.cmpi sgt, %jit3A_241, %sign3A_250 : i32
          %sign3A_252 = arith.extui %sign3A_251 : i1 to i32
          %sign3A_253 = arith.constant 0 : i32
          %sign3A_254 = arith.cmpi slt, %jit3A_241, %sign3A_253 : i32
          %sign3A_255 = arith.extui %sign3A_254 : i1 to i32
          %sign3A_256 = arith.subi %sign3A_252, %sign3A_255 : i32
          %ne3A_257 = arith.cmpi ne, %sign3A_249, %sign3A_256 : i32
          %rem3A_258 = arith.remsi %add3A_240, %jit3A_241 : i32
          %ne3A_259 = arith.constant 0 : i32
          %ne3A_260 = arith.cmpi ne, %rem3A_258, %ne3A_259 : i32
          %and3A_261 = arith.andi %ne3A_257, %ne3A_260 : i1
          %sub3A_262 = arith.constant 1 : i32
          %sub3A_263 = arith.subi %div3A_242, %sub3A_262 : i32
          %select_n3A_264 = arith.select %and3A_261, %sub3A_263, %div3A_242 : i32
          %jit3A_265 = arith.constant 4096 : i32
          %eq3A_266 = arith.constant 0 : i32
          %eq3A_267 = arith.cmpi eq, %jit3A_265, %eq3A_266 : i32
          %jit3A_268 = arith.constant 1 : i32
          %select_n3A_269 = arith.select %eq3A_267, %jit3A_268, %jit3A_265 : i32
          %rem3A_270 = arith.remsi %add3A_240, %select_n3A_269 : i32
          %ne3A_271 = arith.constant 0 : i32
          %ne3A_272 = arith.cmpi ne, %rem3A_270, %ne3A_271 : i32
          %lt3A_273 = arith.constant 0 : i32
          %lt3A_274 = arith.cmpi slt, %rem3A_270, %lt3A_273 : i32
          %lt3A_275 = arith.constant 0 : i32
          %lt3A_276 = arith.cmpi slt, %select_n3A_269, %lt3A_275 : i32
          %ne3A_277 = arith.xori %lt3A_274, %lt3A_276 : i1
          %and3A_278 = arith.andi %ne3A_277, %ne3A_272 : i1
          %add3A_279 = arith.addi %rem3A_270, %select_n3A_269 : i32
          %select_n3A_280 = arith.select %and3A_278, %add3A_279, %rem3A_270 : i32
          %dma_wait3A_281 = arith.constant 0 : i32
          %dma_wait3A_282 = tpu.memref_slice %arg4[%select_n3A_264, %select_n3A_280, %dma_wait3A_281] : memref<50x4096x128xf32, #tpu.memory_space<hbm>> -> memref<1x128x128xf32, #tpu.memory_space<hbm>>
          %dma_wait3A_283 = tpu.memref_squeeze %dma_wait3A_282 : memref<1x128x128xf32, #tpu.memory_space<hbm>> -> memref<128x128xf32, #tpu.memory_space<hbm>>
          %dma_wait3A_284 = arith.constant 0 : i32
          %dma_wait3A_285 = tpu.memref_slice %arg4[%select_n3A_264, %select_n3A_280, %dma_wait3A_284] : memref<50x4096x128xf32, #tpu.memory_space<hbm>> -> memref<1x128x128xf32, #tpu.memory_space<hbm>>
          %dma_wait3A_286 = tpu.memref_squeeze %dma_wait3A_285 : memref<1x128x128xf32, #tpu.memory_space<hbm>> -> memref<128x128xf32, #tpu.memory_space<hbm>>
          tpu.wait_dma2 semaphore(%arg16 : memref<!tpu.dma_semaphore, #tpu.memory_space<semaphore_mem>>) src(%arg10 : memref<128x128xf32, #tpu.memory_space<vmem>>) dst(%dma_wait3A_286 : memref<128x128xf32, #tpu.memory_space<hbm>>)
        } else {
        }
        %parallel_loop3A = arith.constant 0 : i32
        %parallel_loop3A_187 = arith.constant 128 : i32
        %parallel_loop3A_188 = arith.constant 1 : i32
        scf.for %parallel_loop3A_238 = %parallel_loop3A to %parallel_loop3A_187 step %parallel_loop3A_188  : i32 {
          %parallel_loop3A_239 = arith.index_cast %parallel_loop3A_238 : i32 to index
          %parallel_loop3A_240 = arith.constant 0 : index
          %parallel_loop3A_241 = tpu.vector_load %arg7[%parallel_loop3A_239, %parallel_loop3A_240] {strides = array<i32>} : memref<128x128xf32, #tpu.memory_space<vmem>>, vector<1x16xf32>,
          %parallel_loop3A_242 = vector.shape_cast %parallel_loop3A_241 : vector<1x16xf32> to vector<16xf32>
          %parallel_loop3A_243 = arith.constant 1.000000e+01 : f32
          %parallel_loop3A_244 = vector.broadcast %parallel_loop3A_243 : f32 to vector<16xf32>
          %parallel_loop3A_245 = arith.mulf %parallel_loop3A_242, %parallel_loop3A_244 : vector<16xf32>
          %parallel_loop3A_246 = arith.index_cast %parallel_loop3A_238 : i32 to index
          %parallel_loop3A_247 = arith.constant 0 : index
          %parallel_loop3A_248 = tpu.vector_load %arg10[%parallel_loop3A_246, %parallel_loop3A_247] {strides = array<i32>} : memref<128x128xf32, #tpu.memory_space<vmem>>, vector<1x16xf32>,
          %parallel_loop3A_249 = vector.shape_cast %parallel_loop3A_248 : vector<1x16xf32> to vector<16xf32>
          %parallel_loop3A_250 = vector.shape_cast %parallel_loop3A_245 : vector<16xf32> to vector<1x16xf32>
          tpu.vector_store %arg10[%parallel_loop3A_246, %parallel_loop3A_247], %parallel_loop3A_250 {strides = array<i32>} : memref<128x128xf32, #tpu.memory_space<vmem>>, vector<1x16xf32>,
          %parallel_loop3A_251 = arith.index_cast %parallel_loop3A_238 : i32 to index
          %parallel_loop3A_252 = arith.constant 16 : index
          %parallel_loop3A_253 = tpu.vector_load %arg7[%parallel_loop3A_251, %parallel_loop3A_252] {strides = array<i32>} : memref<128x128xf32, #tpu.memory_space<vmem>>, vector<1x16xf32>,
          %parallel_loop3A_254 = vector.shape_cast %parallel_loop3A_253 : vector<1x16xf32> to vector<16xf32>
          %parallel_loop3A_255 = arith.constant 1.000000e+01 : f32
          %parallel_loop3A_256 = vector.broadcast %parallel_loop3A_255 : f32 to vector<16xf32>
          %parallel_loop3A_257 = arith.mulf %parallel_loop3A_254, %parallel_loop3A_256 : vector<16xf32>
          %parallel_loop3A_258 = arith.index_cast %parallel_loop3A_238 : i32 to index
          %parallel_loop3A_259 = arith.constant 16 : index
          %parallel_loop3A_260 = tpu.vector_load %arg10[%parallel_loop3A_258, %parallel_loop3A_259] {strides = array<i32>} : memref<128x128xf32, #tpu.memory_space<vmem>>, vector<1x16xf32>,
          %parallel_loop3A_261 = vector.shape_cast %parallel_loop3A_260 : vector<1x16xf32> to vector<16xf32>
          %parallel_loop3A_262 = vector.shape_cast %parallel_loop3A_257 : vector<16xf32> to vector<1x16xf32>
          tpu.vector_store %arg10[%parallel_loop3A_258, %parallel_loop3A_259], %parallel_loop3A_262 {strides = array<i32>} : memref<128x128xf32, #tpu.memory_space<vmem>>, vector<1x16xf32>,
          %parallel_loop3A_263 = arith.index_cast %parallel_loop3A_238 : i32 to index
          %parallel_loop3A_264 = arith.constant 32 : index
          %parallel_loop3A_265 = tpu.vector_load %arg7[%parallel_loop3A_263, %parallel_loop3A_264] {strides = array<i32>} : memref<128x128xf32, #tpu.memory_space<vmem>>, vector<1x16xf32>,
          %parallel_loop3A_266 = vector.shape_cast %parallel_loop3A_265 : vector<1x16xf32> to vector<16xf32>
          %parallel_loop3A_267 = arith.constant 1.000000e+01 : f32
          %parallel_loop3A_268 = vector.broadcast %parallel_loop3A_267 : f32 to vector<16xf32>
          %parallel_loop3A_269 = arith.mulf %parallel_loop3A_266, %parallel_loop3A_268 : vector<16xf32>
          %parallel_loop3A_270 = arith.index_cast %parallel_loop3A_238 : i32 to index
          %parallel_loop3A_271 = arith.constant 32 : index
          %parallel_loop3A_272 = tpu.vector_load %arg10[%parallel_loop3A_270, %parallel_loop3A_271] {strides = array<i32>} : memref<128x128xf32, #tpu.memory_space<vmem>>, vector<1x16xf32>,
          %parallel_loop3A_273 = vector.shape_cast %parallel_loop3A_272 : vector<1x16xf32> to vector<16xf32>
          %parallel_loop3A_274 = vector.shape_cast %parallel_loop3A_269 : vector<16xf32> to vector<1x16xf32>
          tpu.vector_store %arg10[%parallel_loop3A_270, %parallel_loop3A_271], %parallel_loop3A_274 {strides = array<i32>} : memref<128x128xf32, #tpu.memory_space<vmem>>, vector<1x16xf32>,
          %parallel_loop3A_275 = arith.index_cast %parallel_loop3A_238 : i32 to index
          %parallel_loop3A_276 = arith.constant 48 : index
          %parallel_loop3A_277 = tpu.vector_load %arg7[%parallel_loop3A_275, %parallel_loop3A_276] {strides = array<i32>} : memref<128x128xf32, #tpu.memory_space<vmem>>, vector<1x16xf32>,
          %parallel_loop3A_278 = vector.shape_cast %parallel_loop3A_277 : vector<1x16xf32> to vector<16xf32>
          %parallel_loop3A_279 = arith.constant 1.000000e+01 : f32
          %parallel_loop3A_280 = vector.broadcast %parallel_loop3A_279 : f32 to vector<16xf32>
          %parallel_loop3A_281 = arith.mulf %parallel_loop3A_278, %parallel_loop3A_280 : vector<16xf32>
          %parallel_loop3A_282 = arith.index_cast %parallel_loop3A_238 : i32 to index
          %parallel_loop3A_283 = arith.constant 48 : index
          %parallel_loop3A_284 = tpu.vector_load %arg10[%parallel_loop3A_282, %parallel_loop3A_283] {strides = array<i32>} : memref<128x128xf32, #tpu.memory_space<vmem>>, vector<1x16xf32>,
          %parallel_loop3A_285 = vector.shape_cast %parallel_loop3A_284 : vector<1x16xf32> to vector<16xf32>
          %parallel_loop3A_286 = vector.shape_cast %parallel_loop3A_281 : vector<16xf32> to vector<1x16xf32>
          tpu.vector_store %arg10[%parallel_loop3A_282, %parallel_loop3A_283], %parallel_loop3A_286 {strides = array<i32>} : memref<128x128xf32, #tpu.memory_space<vmem>>, vector<1x16xf32>,
          %parallel_loop3A_287 = arith.index_cast %parallel_loop3A_238 : i32 to index
          %parallel_loop3A_288 = arith.constant 64 : index
          %parallel_loop3A_289 = tpu.vector_load %arg7[%parallel_loop3A_287, %parallel_loop3A_288] {strides = array<i32>} : memref<128x128xf32, #tpu.memory_space<vmem>>, vector<1x16xf32>,
          %parallel_loop3A_290 = vector.shape_cast %parallel_loop3A_289 : vector<1x16xf32> to vector<16xf32>
          %parallel_loop3A_291 = arith.constant 1.000000e+01 : f32
          %parallel_loop3A_292 = vector.broadcast %parallel_loop3A_291 : f32 to vector<16xf32>
          %parallel_loop3A_293 = arith.mulf %parallel_loop3A_290, %parallel_loop3A_292 : vector<16xf32>
          %parallel_loop3A_294 = arith.index_cast %parallel_loop3A_238 : i32 to index
          %parallel_loop3A_295 = arith.constant 64 : index
          %parallel_loop3A_296 = tpu.vector_load %arg10[%parallel_loop3A_294, %parallel_loop3A_295] {strides = array<i32>} : memref<128x128xf32, #tpu.memory_space<vmem>>, vector<1x16xf32>,
          %parallel_loop3A_297 = vector.shape_cast %parallel_loop3A_296 : vector<1x16xf32> to vector<16xf32>
          %parallel_loop3A_298 = vector.shape_cast %parallel_loop3A_293 : vector<16xf32> to vector<1x16xf32>
          tpu.vector_store %arg10[%parallel_loop3A_294, %parallel_loop3A_295], %parallel_loop3A_298 {strides = array<i32>} : memref<128x128xf32, #tpu.memory_space<vmem>>, vector<1x16xf32>,
          %parallel_loop3A_299 = arith.index_cast %parallel_loop3A_238 : i32 to index
          %parallel_loop3A_300 = arith.constant 80 : index
          %parallel_loop3A_301 = tpu.vector_load %arg7[%parallel_loop3A_299, %parallel_loop3A_300] {strides = array<i32>} : memref<128x128xf32, #tpu.memory_space<vmem>>, vector<1x16xf32>,
          %parallel_loop3A_302 = vector.shape_cast %parallel_loop3A_301 : vector<1x16xf32> to vector<16xf32>
          %parallel_loop3A_303 = arith.constant 1.000000e+01 : f32
          %parallel_loop3A_304 = vector.broadcast %parallel_loop3A_303 : f32 to vector<16xf32>
          %parallel_loop3A_305 = arith.mulf %parallel_loop3A_302, %parallel_loop3A_304 : vector<16xf32>
          %parallel_loop3A_306 = arith.index_cast %parallel_loop3A_238 : i32 to index
          %parallel_loop3A_307 = arith.constant 80 : index
          %parallel_loop3A_308 = tpu.vector_load %arg10[%parallel_loop3A_306, %parallel_loop3A_307] {strides = array<i32>} : memref<128x128xf32, #tpu.memory_space<vmem>>, vector<1x16xf32>,
          %parallel_loop3A_309 = vector.shape_cast %parallel_loop3A_308 : vector<1x16xf32> to vector<16xf32>
          %parallel_loop3A_310 = vector.shape_cast %parallel_loop3A_305 : vector<16xf32> to vector<1x16xf32>
          tpu.vector_store %arg10[%parallel_loop3A_306, %parallel_loop3A_307], %parallel_loop3A_310 {strides = array<i32>} : memref<128x128xf32, #tpu.memory_space<vmem>>, vector<1x16xf32>,
          %parallel_loop3A_311 = arith.index_cast %parallel_loop3A_238 : i32 to index
          %parallel_loop3A_312 = arith.constant 96 : index
          %parallel_loop3A_313 = tpu.vector_load %arg7[%parallel_loop3A_311, %parallel_loop3A_312] {strides = array<i32>} : memref<128x128xf32, #tpu.memory_space<vmem>>, vector<1x16xf32>,
          %parallel_loop3A_314 = vector.shape_cast %parallel_loop3A_313 : vector<1x16xf32> to vector<16xf32>
          %parallel_loop3A_315 = arith.constant 1.000000e+01 : f32
          %parallel_loop3A_316 = vector.broadcast %parallel_loop3A_315 : f32 to vector<16xf32>
          %parallel_loop3A_317 = arith.mulf %parallel_loop3A_314, %parallel_loop3A_316 : vector<16xf32>
          %parallel_loop3A_318 = arith.index_cast %parallel_loop3A_238 : i32 to index
          %parallel_loop3A_319 = arith.constant 96 : index
          %parallel_loop3A_320 = tpu.vector_load %arg10[%parallel_loop3A_318, %parallel_loop3A_319] {strides = array<i32>} : memref<128x128xf32, #tpu.memory_space<vmem>>, vector<1x16xf32>,
          %parallel_loop3A_321 = vector.shape_cast %parallel_loop3A_320 : vector<1x16xf32> to vector<16xf32>
          %parallel_loop3A_322 = vector.shape_cast %parallel_loop3A_317 : vector<16xf32> to vector<1x16xf32>
          tpu.vector_store %arg10[%parallel_loop3A_318, %parallel_loop3A_319], %parallel_loop3A_322 {strides = array<i32>} : memref<128x128xf32, #tpu.memory_space<vmem>>, vector<1x16xf32>,
          %parallel_loop3A_323 = arith.index_cast %parallel_loop3A_238 : i32 to index
          %parallel_loop3A_324 = arith.constant 112 : index
          %parallel_loop3A_325 = tpu.vector_load %arg7[%parallel_loop3A_323, %parallel_loop3A_324] {strides = array<i32>} : memref<128x128xf32, #tpu.memory_space<vmem>>, vector<1x16xf32>,
          %parallel_loop3A_326 = vector.shape_cast %parallel_loop3A_325 : vector<1x16xf32> to vector<16xf32>
          %parallel_loop3A_327 = arith.constant 1.000000e+01 : f32
          %parallel_loop3A_328 = vector.broadcast %parallel_loop3A_327 : f32 to vector<16xf32>
          %parallel_loop3A_329 = arith.mulf %parallel_loop3A_326, %parallel_loop3A_328 : vector<16xf32>
          %parallel_loop3A_330 = arith.index_cast %parallel_loop3A_238 : i32 to index
          %parallel_loop3A_331 = arith.constant 112 : index
          %parallel_loop3A_332 = tpu.vector_load %arg10[%parallel_loop3A_330, %parallel_loop3A_331] {strides = array<i32>} : memref<128x128xf32, #tpu.memory_space<vmem>>, vector<1x16xf32>,
          %parallel_loop3A_333 = vector.shape_cast %parallel_loop3A_332 : vector<1x16xf32> to vector<16xf32>
          %parallel_loop3A_334 = vector.shape_cast %parallel_loop3A_329 : vector<16xf32> to vector<1x16xf32>
          tpu.vector_store %arg10[%parallel_loop3A_330, %parallel_loop3A_331], %parallel_loop3A_334 {strides = array<i32>} : memref<128x128xf32, #tpu.memory_space<vmem>>, vector<1x16xf32>,
        } {sc.loop_unroll_factor = 8 : i64, sc.parallel_access}
        %mul3A_189 = arith.constant 128 : i32
        %mul3A_190 = arith.muli %add3A_158, %mul3A_189 : i32
        %add3A_191 = arith.addi %mul3A_2, %mul3A_190 : i32
        %jit3A_192 = arith.constant 4096 : i32
        %div3A_193 = arith.divsi %add3A_191, %jit3A_192 : i32
        %sign3A_194 = arith.constant 0 : i32
        %sign3A_195 = arith.cmpi sgt, %add3A_191, %sign3A_194 : i32
        %sign3A_196 = arith.extui %sign3A_195 : i1 to i32
        %sign3A_197 = arith.constant 0 : i32
        %sign3A_198 = arith.cmpi slt, %add3A_191, %sign3A_197 : i32
        %sign3A_199 = arith.extui %sign3A_198 : i1 to i32
        %sign3A_200 = arith.subi %sign3A_196, %sign3A_199 : i32
        %sign3A_201 = arith.constant 0 : i32
        %sign3A_202 = arith.cmpi sgt, %jit3A_192, %sign3A_201 : i32
        %sign3A_203 = arith.extui %sign3A_202 : i1 to i32
        %sign3A_204 = arith.constant 0 : i32
        %sign3A_205 = arith.cmpi slt, %jit3A_192, %sign3A_204 : i32
        %sign3A_206 = arith.extui %sign3A_205 : i1 to i32
        %sign3A_207 = arith.subi %sign3A_203, %sign3A_206 : i32
        %ne3A_208 = arith.cmpi ne, %sign3A_200, %sign3A_207 : i32
        %rem3A_209 = arith.remsi %add3A_191, %jit3A_192 : i32
        %ne3A_210 = arith.constant 0 : i32
        %ne3A_211 = arith.cmpi ne, %rem3A_209, %ne3A_210 : i32
        %and3A_212 = arith.andi %ne3A_208, %ne3A_211 : i1
        %sub3A_213 = arith.constant 1 : i32
        %sub3A_214 = arith.subi %div3A_193, %sub3A_213 : i32
        %select_n3A_215 = arith.select %and3A_212, %sub3A_214, %div3A_193 : i32
        %jit3A_216 = arith.constant 4096 : i32
        %eq3A_217 = arith.constant 0 : i32
        %eq3A_218 = arith.cmpi eq, %jit3A_216, %eq3A_217 : i32
        %jit3A_219 = arith.constant 1 : i32
        %select_n3A_220 = arith.select %eq3A_218, %jit3A_219, %jit3A_216 : i32
        %rem3A_221 = arith.remsi %add3A_191, %select_n3A_220 : i32
        %ne3A_222 = arith.constant 0 : i32
        %ne3A_223 = arith.cmpi ne, %rem3A_221, %ne3A_222 : i32
        %lt3A_224 = arith.constant 0 : i32
        %lt3A_225 = arith.cmpi slt, %rem3A_221, %lt3A_224 : i32
        %lt3A_226 = arith.constant 0 : i32
        %lt3A_227 = arith.cmpi slt, %select_n3A_220, %lt3A_226 : i32
        %ne3A_228 = arith.xori %lt3A_225, %lt3A_227 : i1
        %and3A_229 = arith.andi %ne3A_228, %ne3A_223 : i1
        %add3A_230 = arith.addi %rem3A_221, %select_n3A_220 : i32
        %select_n3A_231 = arith.select %and3A_229, %add3A_230, %rem3A_221 : i32
        %dma_start3A_232 = arith.constant 0 : i32
        %dma_start3A_233 = tpu.memref_slice %arg4[%select_n3A_215, %select_n3A_231, %dma_start3A_232] : memref<50x4096x128xf32, #tpu.memory_space<hbm>> -> memref<1x128x128xf32, #tpu.memory_space<hbm>>
        %dma_start3A_234 = tpu.memref_squeeze %dma_start3A_233 : memref<1x128x128xf32, #tpu.memory_space<hbm>> -> memref<128x128xf32, #tpu.memory_space<hbm>>
        %dma_start3A_235 = arith.constant 0 : i32
        %dma_start3A_236 = tpu.memref_slice %arg4[%select_n3A_215, %select_n3A_231, %dma_start3A_235] : memref<50x4096x128xf32, #tpu.memory_space<hbm>> -> memref<1x128x128xf32, #tpu.memory_space<hbm>>
        %dma_start3A_237 = tpu.memref_squeeze %dma_start3A_236 : memref<1x128x128xf32, #tpu.memory_space<hbm>> -> memref<128x128xf32, #tpu.memory_space<hbm>>
        tpu.enqueue_dma source(%arg10 : memref<128x128xf32, #tpu.memory_space<vmem>>) target(%dma_start3A_237 : memref<128x128xf32, #tpu.memory_space<hbm>>) target_semaphore(%arg16 : memref<!tpu.dma_semaphore, #tpu.memory_space<semaphore_mem>>)
      } else {
      }
      %add3A_164 = arith.constant 2 : i32
      %add3A_165 = arith.addi %mul3A_151, %add3A_164 : i32
      %lt3A_166 = arith.constant 50 : i32
      %lt3A_167 = arith.cmpi slt, %add3A_165, %lt3A_166 : i32
      %convert_element_type3A_168 = arith.extui %lt3A_167 : i1 to i32
      %cond3A_169 = arith.constant 0 : i32
      %cond3A_170 = arith.cmpi ne, %convert_element_type3A_168, %cond3A_169 : i32
      scf.if %cond3A_170 {
        %dma_wait3A_171 = arith.constant 0 : i32
        %dma_wait3A_172 = tpu.memref_slice %arg5[%dma_wait3A_171] : memref<6400xi32, #tpu.memory_space<vmem>> -> memref<128xi32, #tpu.memory_space<vmem>>
        %dma_wait3A_173 = arith.constant 0 : i32
        %dma_wait3A_174 = arith.constant 0 : i32
        %dma_wait3A_175 = tpu.memref_slice %arg2[%dma_wait3A_173, %dma_wait3A_174] : memref<100000x128xf32, #tpu.memory_space<hbm>> -> memref<100000x128xf32, #tpu.memory_space<hbm>>
        tpu.wait_indirect_dma semaphore(%arg14 : memref<!tpu.dma_semaphore, #tpu.memory_space<semaphore_mem>>) src(%dma_wait3A_175 : memref<100000x128xf32, #tpu.memory_space<hbm>>) dst(%arg8 : memref<128x128xf32, #tpu.memory_space<vmem>>)
        %add3A_176 = arith.constant 2 : i32
        %add3A_177 = arith.addi %add3A_165, %add3A_176 : i32
        %lt3A_178 = arith.constant 50 : i32
        %lt3A_179 = arith.cmpi slt, %add3A_177, %lt3A_178 : i32
        %convert_element_type3A_180 = arith.extui %lt3A_179 : i1 to i32
        %cond3A_181 = arith.constant 0 : i32
        %cond3A_182 = arith.cmpi ne, %convert_element_type3A_180, %cond3A_181 : i32
        scf.if %cond3A_182 {
          %add3A_238 = arith.constant 2 : i32
          %add3A_239 = arith.addi %add3A_165, %add3A_238 : i32
          %mul3A_240 = arith.constant 128 : i32
          %mul3A_241 = arith.muli %add3A_239, %mul3A_240 : i32
          %dma_start3A_242 = tpu.memref_slice %arg5[%mul3A_241] : memref<6400xi32, #tpu.memory_space<vmem>> -> memref<128xi32, #tpu.memory_space<vmem>>
          %dma_start3A_243 = arith.constant 0 : i32
          %dma_start3A_244 = arith.constant 0 : i32
          %dma_start3A_245 = tpu.memref_slice %arg2[%dma_start3A_243, %dma_start3A_244] : memref<100000x128xf32, #tpu.memory_space<hbm>> -> memref<100000x128xf32, #tpu.memory_space<hbm>>
          tpu.enqueue_indirect_dma source(%dma_start3A_245 : memref<100000x128xf32, #tpu.memory_space<hbm>>) target(%arg7 : memref<128x128xf32, #tpu.memory_space<vmem>>) offsets(%dma_start3A_242 : memref<128xi32, #tpu.memory_space<vmem>>) semaphore(%arg13 : memref<!tpu.dma_semaphore, #tpu.memory_space<semaphore_mem>>)
        } else {
        }
        %ge3A = arith.constant 3 : i32
        %ge3A_183 = arith.cmpi sge, %add3A_165, %ge3A : i32
        %convert_element_type3A_184 = arith.extui %ge3A_183 : i1 to i32
        %cond3A_185 = arith.constant 0 : i32
        %cond3A_186 = arith.cmpi ne, %convert_element_type3A_184, %cond3A_185 : i32
        scf.if %cond3A_186 {
          %mul3A_238 = arith.constant 128 : i32
          %mul3A_239 = arith.muli %add3A_165, %mul3A_238 : i32
          %add3A_240 = arith.addi %mul3A_2, %mul3A_239 : i32
          %jit3A_241 = arith.constant 4096 : i32
          %div3A_242 = arith.divsi %add3A_240, %jit3A_241 : i32
          %sign3A_243 = arith.constant 0 : i32
          %sign3A_244 = arith.cmpi sgt, %add3A_240, %sign3A_243 : i32
          %sign3A_245 = arith.extui %sign3A_244 : i1 to i32
          %sign3A_246 = arith.constant 0 : i32
          %sign3A_247 = arith.cmpi slt, %add3A_240, %sign3A_246 : i32
          %sign3A_248 = arith.extui %sign3A_247 : i1 to i32
          %sign3A_249 = arith.subi %sign3A_245, %sign3A_248 : i32
          %sign3A_250 = arith.constant 0 : i32
          %sign3A_251 = arith.cmpi sgt, %jit3A_241, %sign3A_250 : i32
          %sign3A_252 = arith.extui %sign3A_251 : i1 to i32
          %sign3A_253 = arith.constant 0 : i32
          %sign3A_254 = arith.cmpi slt, %jit3A_241, %sign3A_253 : i32
          %sign3A_255 = arith.extui %sign3A_254 : i1 to i32
          %sign3A_256 = arith.subi %sign3A_252, %sign3A_255 : i32
          %ne3A_257 = arith.cmpi ne, %sign3A_249, %sign3A_256 : i32
          %rem3A_258 = arith.remsi %add3A_240, %jit3A_241 : i32
          %ne3A_259 = arith.constant 0 : i32
          %ne3A_260 = arith.cmpi ne, %rem3A_258, %ne3A_259 : i32
          %and3A_261 = arith.andi %ne3A_257, %ne3A_260 : i1
          %sub3A_262 = arith.constant 1 : i32
          %sub3A_263 = arith.subi %div3A_242, %sub3A_262 : i32
          %select_n3A_264 = arith.select %and3A_261, %sub3A_263, %div3A_242 : i32
          %jit3A_265 = arith.constant 4096 : i32
          %eq3A_266 = arith.constant 0 : i32
          %eq3A_267 = arith.cmpi eq, %jit3A_265, %eq3A_266 : i32
          %jit3A_268 = arith.constant 1 : i32
          %select_n3A_269 = arith.select %eq3A_267, %jit3A_268, %jit3A_265 : i32
          %rem3A_270 = arith.remsi %add3A_240, %select_n3A_269 : i32
          %ne3A_271 = arith.constant 0 : i32
          %ne3A_272 = arith.cmpi ne, %rem3A_270, %ne3A_271 : i32
          %lt3A_273 = arith.constant 0 : i32
          %lt3A_274 = arith.cmpi slt, %rem3A_270, %lt3A_273 : i32
          %lt3A_275 = arith.constant 0 : i32
          %lt3A_276 = arith.cmpi slt, %select_n3A_269, %lt3A_275 : i32
          %ne3A_277 = arith.xori %lt3A_274, %lt3A_276 : i1
          %and3A_278 = arith.andi %ne3A_277, %ne3A_272 : i1
          %add3A_279 = arith.addi %rem3A_270, %select_n3A_269 : i32
          %select_n3A_280 = arith.select %and3A_278, %add3A_279, %rem3A_270 : i32
          %dma_wait3A_281 = arith.constant 0 : i32
          %dma_wait3A_282 = tpu.memref_slice %arg4[%select_n3A_264, %select_n3A_280, %dma_wait3A_281] : memref<50x4096x128xf32, #tpu.memory_space<hbm>> -> memref<1x128x128xf32, #tpu.memory_space<hbm>>
          %dma_wait3A_283 = tpu.memref_squeeze %dma_wait3A_282 : memref<1x128x128xf32, #tpu.memory_space<hbm>> -> memref<128x128xf32, #tpu.memory_space<hbm>>
          %dma_wait3A_284 = arith.constant 0 : i32
          %dma_wait3A_285 = tpu.memref_slice %arg4[%select_n3A_264, %select_n3A_280, %dma_wait3A_284] : memref<50x4096x128xf32, #tpu.memory_space<hbm>> -> memref<1x128x128xf32, #tpu.memory_space<hbm>>
          %dma_wait3A_286 = tpu.memref_squeeze %dma_wait3A_285 : memref<1x128x128xf32, #tpu.memory_space<hbm>> -> memref<128x128xf32, #tpu.memory_space<hbm>>
          tpu.wait_dma2 semaphore(%arg17 : memref<!tpu.dma_semaphore, #tpu.memory_space<semaphore_mem>>) src(%arg11 : memref<128x128xf32, #tpu.memory_space<vmem>>) dst(%dma_wait3A_286 : memref<128x128xf32, #tpu.memory_space<hbm>>)
        } else {
        }
        %parallel_loop3A = arith.constant 0 : i32
        %parallel_loop3A_187 = arith.constant 128 : i32
        %parallel_loop3A_188 = arith.constant 1 : i32
        scf.for %parallel_loop3A_238 = %parallel_loop3A to %parallel_loop3A_187 step %parallel_loop3A_188  : i32 {
          %parallel_loop3A_239 = arith.index_cast %parallel_loop3A_238 : i32 to index
          %parallel_loop3A_240 = arith.constant 0 : index
          %parallel_loop3A_241 = tpu.vector_load %arg8[%parallel_loop3A_239, %parallel_loop3A_240] {strides = array<i32>} : memref<128x128xf32, #tpu.memory_space<vmem>>, vector<1x16xf32>,
          %parallel_loop3A_242 = vector.shape_cast %parallel_loop3A_241 : vector<1x16xf32> to vector<16xf32>
          %parallel_loop3A_243 = arith.constant 1.000000e+01 : f32
          %parallel_loop3A_244 = vector.broadcast %parallel_loop3A_243 : f32 to vector<16xf32>
          %parallel_loop3A_245 = arith.mulf %parallel_loop3A_242, %parallel_loop3A_244 : vector<16xf32>
          %parallel_loop3A_246 = arith.index_cast %parallel_loop3A_238 : i32 to index
          %parallel_loop3A_247 = arith.constant 0 : index
          %parallel_loop3A_248 = tpu.vector_load %arg11[%parallel_loop3A_246, %parallel_loop3A_247] {strides = array<i32>} : memref<128x128xf32, #tpu.memory_space<vmem>>, vector<1x16xf32>,
          %parallel_loop3A_249 = vector.shape_cast %parallel_loop3A_248 : vector<1x16xf32> to vector<16xf32>
          %parallel_loop3A_250 = vector.shape_cast %parallel_loop3A_245 : vector<16xf32> to vector<1x16xf32>
          tpu.vector_store %arg11[%parallel_loop3A_246, %parallel_loop3A_247], %parallel_loop3A_250 {strides = array<i32>} : memref<128x128xf32, #tpu.memory_space<vmem>>, vector<1x16xf32>,
          %parallel_loop3A_251 = arith.index_cast %parallel_loop3A_238 : i32 to index
          %parallel_loop3A_252 = arith.constant 16 : index
          %parallel_loop3A_253 = tpu.vector_load %arg8[%parallel_loop3A_251, %parallel_loop3A_252] {strides = array<i32>} : memref<128x128xf32, #tpu.memory_space<vmem>>, vector<1x16xf32>,
          %parallel_loop3A_254 = vector.shape_cast %parallel_loop3A_253 : vector<1x16xf32> to vector<16xf32>
          %parallel_loop3A_255 = arith.constant 1.000000e+01 : f32
          %parallel_loop3A_256 = vector.broadcast %parallel_loop3A_255 : f32 to vector<16xf32>
          %parallel_loop3A_257 = arith.mulf %parallel_loop3A_254, %parallel_loop3A_256 : vector<16xf32>
          %parallel_loop3A_258 = arith.index_cast %parallel_loop3A_238 : i32 to index
          %parallel_loop3A_259 = arith.constant 16 : index
          %parallel_loop3A_260 = tpu.vector_load %arg11[%parallel_loop3A_258, %parallel_loop3A_259] {strides = array<i32>} : memref<128x128xf32, #tpu.memory_space<vmem>>, vector<1x16xf32>,
          %parallel_loop3A_261 = vector.shape_cast %parallel_loop3A_260 : vector<1x16xf32> to vector<16xf32>
          %parallel_loop3A_262 = vector.shape_cast %parallel_loop3A_257 : vector<16xf32> to vector<1x16xf32>
          tpu.vector_store %arg11[%parallel_loop3A_258, %parallel_loop3A_259], %parallel_loop3A_262 {strides = array<i32>} : memref<128x128xf32, #tpu.memory_space<vmem>>, vector<1x16xf32>,
          %parallel_loop3A_263 = arith.index_cast %parallel_loop3A_238 : i32 to index
          %parallel_loop3A_264 = arith.constant 32 : index
          %parallel_loop3A_265 = tpu.vector_load %arg8[%parallel_loop3A_263, %parallel_loop3A_264] {strides = array<i32>} : memref<128x128xf32, #tpu.memory_space<vmem>>, vector<1x16xf32>,
          %parallel_loop3A_266 = vector.shape_cast %parallel_loop3A_265 : vector<1x16xf32> to vector<16xf32>
          %parallel_loop3A_267 = arith.constant 1.000000e+01 : f32
          %parallel_loop3A_268 = vector.broadcast %parallel_loop3A_267 : f32 to vector<16xf32>
          %parallel_loop3A_269 = arith.mulf %parallel_loop3A_266, %parallel_loop3A_268 : vector<16xf32>
          %parallel_loop3A_270 = arith.index_cast %parallel_loop3A_238 : i32 to index
          %parallel_loop3A_271 = arith.constant 32 : index
          %parallel_loop3A_272 = tpu.vector_load %arg11[%parallel_loop3A_270, %parallel_loop3A_271] {strides = array<i32>} : memref<128x128xf32, #tpu.memory_space<vmem>>, vector<1x16xf32>,
          %parallel_loop3A_273 = vector.shape_cast %parallel_loop3A_272 : vector<1x16xf32> to vector<16xf32>
          %parallel_loop3A_274 = vector.shape_cast %parallel_loop3A_269 : vector<16xf32> to vector<1x16xf32>
          tpu.vector_store %arg11[%parallel_loop3A_270, %parallel_loop3A_271], %parallel_loop3A_274 {strides = array<i32>} : memref<128x128xf32, #tpu.memory_space<vmem>>, vector<1x16xf32>,
          %parallel_loop3A_275 = arith.index_cast %parallel_loop3A_238 : i32 to index
          %parallel_loop3A_276 = arith.constant 48 : index
          %parallel_loop3A_277 = tpu.vector_load %arg8[%parallel_loop3A_275, %parallel_loop3A_276] {strides = array<i32>} : memref<128x128xf32, #tpu.memory_space<vmem>>, vector<1x16xf32>,
          %parallel_loop3A_278 = vector.shape_cast %parallel_loop3A_277 : vector<1x16xf32> to vector<16xf32>
          %parallel_loop3A_279 = arith.constant 1.000000e+01 : f32
          %parallel_loop3A_280 = vector.broadcast %parallel_loop3A_279 : f32 to vector<16xf32>
          %parallel_loop3A_281 = arith.mulf %parallel_loop3A_278, %parallel_loop3A_280 : vector<16xf32>
          %parallel_loop3A_282 = arith.index_cast %parallel_loop3A_238 : i32 to index
          %parallel_loop3A_283 = arith.constant 48 : index
          %parallel_loop3A_284 = tpu.vector_load %arg11[%parallel_loop3A_282, %parallel_loop3A_283] {strides = array<i32>} : memref<128x128xf32, #tpu.memory_space<vmem>>, vector<1x16xf32>,
          %parallel_loop3A_285 = vector.shape_cast %parallel_loop3A_284 : vector<1x16xf32> to vector<16xf32>
          %parallel_loop3A_286 = vector.shape_cast %parallel_loop3A_281 : vector<16xf32> to vector<1x16xf32>
          tpu.vector_store %arg11[%parallel_loop3A_282, %parallel_loop3A_283], %parallel_loop3A_286 {strides = array<i32>} : memref<128x128xf32, #tpu.memory_space<vmem>>, vector<1x16xf32>,
          %parallel_loop3A_287 = arith.index_cast %parallel_loop3A_238 : i32 to index
          %parallel_loop3A_288 = arith.constant 64 : index
          %parallel_loop3A_289 = tpu.vector_load %arg8[%parallel_loop3A_287, %parallel_loop3A_288] {strides = array<i32>} : memref<128x128xf32, #tpu.memory_space<vmem>>, vector<1x16xf32>,
          %parallel_loop3A_290 = vector.shape_cast %parallel_loop3A_289 : vector<1x16xf32> to vector<16xf32>
          %parallel_loop3A_291 = arith.constant 1.000000e+01 : f32
          %parallel_loop3A_292 = vector.broadcast %parallel_loop3A_291 : f32 to vector<16xf32>
          %parallel_loop3A_293 = arith.mulf %parallel_loop3A_290, %parallel_loop3A_292 : vector<16xf32>
          %parallel_loop3A_294 = arith.index_cast %parallel_loop3A_238 : i32 to index
          %parallel_loop3A_295 = arith.constant 64 : index
          %parallel_loop3A_296 = tpu.vector_load %arg11[%parallel_loop3A_294, %parallel_loop3A_295] {strides = array<i32>} : memref<128x128xf32, #tpu.memory_space<vmem>>, vector<1x16xf32>,
          %parallel_loop3A_297 = vector.shape_cast %parallel_loop3A_296 : vector<1x16xf32> to vector<16xf32>
          %parallel_loop3A_298 = vector.shape_cast %parallel_loop3A_293 : vector<16xf32> to vector<1x16xf32>
          tpu.vector_store %arg11[%parallel_loop3A_294, %parallel_loop3A_295], %parallel_loop3A_298 {strides = array<i32>} : memref<128x128xf32, #tpu.memory_space<vmem>>, vector<1x16xf32>,
          %parallel_loop3A_299 = arith.index_cast %parallel_loop3A_238 : i32 to index
          %parallel_loop3A_300 = arith.constant 80 : index
          %parallel_loop3A_301 = tpu.vector_load %arg8[%parallel_loop3A_299, %parallel_loop3A_300] {strides = array<i32>} : memref<128x128xf32, #tpu.memory_space<vmem>>, vector<1x16xf32>,
          %parallel_loop3A_302 = vector.shape_cast %parallel_loop3A_301 : vector<1x16xf32> to vector<16xf32>
          %parallel_loop3A_303 = arith.constant 1.000000e+01 : f32
          %parallel_loop3A_304 = vector.broadcast %parallel_loop3A_303 : f32 to vector<16xf32>
          %parallel_loop3A_305 = arith.mulf %parallel_loop3A_302, %parallel_loop3A_304 : vector<16xf32>
          %parallel_loop3A_306 = arith.index_cast %parallel_loop3A_238 : i32 to index
          %parallel_loop3A_307 = arith.constant 80 : index
          %parallel_loop3A_308 = tpu.vector_load %arg11[%parallel_loop3A_306, %parallel_loop3A_307] {strides = array<i32>} : memref<128x128xf32, #tpu.memory_space<vmem>>, vector<1x16xf32>,
          %parallel_loop3A_309 = vector.shape_cast %parallel_loop3A_308 : vector<1x16xf32> to vector<16xf32>
          %parallel_loop3A_310 = vector.shape_cast %parallel_loop3A_305 : vector<16xf32> to vector<1x16xf32>
          tpu.vector_store %arg11[%parallel_loop3A_306, %parallel_loop3A_307], %parallel_loop3A_310 {strides = array<i32>} : memref<128x128xf32, #tpu.memory_space<vmem>>, vector<1x16xf32>,
          %parallel_loop3A_311 = arith.index_cast %parallel_loop3A_238 : i32 to index
          %parallel_loop3A_312 = arith.constant 96 : index
          %parallel_loop3A_313 = tpu.vector_load %arg8[%parallel_loop3A_311, %parallel_loop3A_312] {strides = array<i32>} : memref<128x128xf32, #tpu.memory_space<vmem>>, vector<1x16xf32>,
          %parallel_loop3A_314 = vector.shape_cast %parallel_loop3A_313 : vector<1x16xf32> to vector<16xf32>
          %parallel_loop3A_315 = arith.constant 1.000000e+01 : f32
          %parallel_loop3A_316 = vector.broadcast %parallel_loop3A_315 : f32 to vector<16xf32>
          %parallel_loop3A_317 = arith.mulf %parallel_loop3A_314, %parallel_loop3A_316 : vector<16xf32>
          %parallel_loop3A_318 = arith.index_cast %parallel_loop3A_238 : i32 to index
          %parallel_loop3A_319 = arith.constant 96 : index
          %parallel_loop3A_320 = tpu.vector_load %arg11[%parallel_loop3A_318, %parallel_loop3A_319] {strides = array<i32>} : memref<128x128xf32, #tpu.memory_space<vmem>>, vector<1x16xf32>,
          %parallel_loop3A_321 = vector.shape_cast %parallel_loop3A_320 : vector<1x16xf32> to vector<16xf32>
          %parallel_loop3A_322 = vector.shape_cast %parallel_loop3A_317 : vector<16xf32> to vector<1x16xf32>
          tpu.vector_store %arg11[%parallel_loop3A_318, %parallel_loop3A_319], %parallel_loop3A_322 {strides = array<i32>} : memref<128x128xf32, #tpu.memory_space<vmem>>, vector<1x16xf32>,
          %parallel_loop3A_323 = arith.index_cast %parallel_loop3A_238 : i32 to index
          %parallel_loop3A_324 = arith.constant 112 : index
          %parallel_loop3A_325 = tpu.vector_load %arg8[%parallel_loop3A_323, %parallel_loop3A_324] {strides = array<i32>} : memref<128x128xf32, #tpu.memory_space<vmem>>, vector<1x16xf32>,
          %parallel_loop3A_326 = vector.shape_cast %parallel_loop3A_325 : vector<1x16xf32> to vector<16xf32>
          %parallel_loop3A_327 = arith.constant 1.000000e+01 : f32
          %parallel_loop3A_328 = vector.broadcast %parallel_loop3A_327 : f32 to vector<16xf32>
          %parallel_loop3A_329 = arith.mulf %parallel_loop3A_326, %parallel_loop3A_328 : vector<16xf32>
          %parallel_loop3A_330 = arith.index_cast %parallel_loop3A_238 : i32 to index
          %parallel_loop3A_331 = arith.constant 112 : index
          %parallel_loop3A_332 = tpu.vector_load %arg11[%parallel_loop3A_330, %parallel_loop3A_331] {strides = array<i32>} : memref<128x128xf32, #tpu.memory_space<vmem>>, vector<1x16xf32>,
          %parallel_loop3A_333 = vector.shape_cast %parallel_loop3A_332 : vector<1x16xf32> to vector<16xf32>
          %parallel_loop3A_334 = vector.shape_cast %parallel_loop3A_329 : vector<16xf32> to vector<1x16xf32>
          tpu.vector_store %arg11[%parallel_loop3A_330, %parallel_loop3A_331], %parallel_loop3A_334 {strides = array<i32>} : memref<128x128xf32, #tpu.memory_space<vmem>>, vector<1x16xf32>,
        } {sc.loop_unroll_factor = 8 : i64, sc.parallel_access}
        %mul3A_189 = arith.constant 128 : i32
        %mul3A_190 = arith.muli %add3A_165, %mul3A_189 : i32
        %add3A_191 = arith.addi %mul3A_2, %mul3A_190 : i32
        %jit3A_192 = arith.constant 4096 : i32
        %div3A_193 = arith.divsi %add3A_191, %jit3A_192 : i32
        %sign3A_194 = arith.constant 0 : i32
        %sign3A_195 = arith.cmpi sgt, %add3A_191, %sign3A_194 : i32
        %sign3A_196 = arith.extui %sign3A_195 : i1 to i32
        %sign3A_197 = arith.constant 0 : i32
        %sign3A_198 = arith.cmpi slt, %add3A_191, %sign3A_197 : i32
        %sign3A_199 = arith.extui %sign3A_198 : i1 to i32
        %sign3A_200 = arith.subi %sign3A_196, %sign3A_199 : i32
        %sign3A_201 = arith.constant 0 : i32
        %sign3A_202 = arith.cmpi sgt, %jit3A_192, %sign3A_201 : i32
        %sign3A_203 = arith.extui %sign3A_202 : i1 to i32
        %sign3A_204 = arith.constant 0 : i32
        %sign3A_205 = arith.cmpi slt, %jit3A_192, %sign3A_204 : i32
        %sign3A_206 = arith.extui %sign3A_205 : i1 to i32
        %sign3A_207 = arith.subi %sign3A_203, %sign3A_206 : i32
        %ne3A_208 = arith.cmpi ne, %sign3A_200, %sign3A_207 : i32
        %rem3A_209 = arith.remsi %add3A_191, %jit3A_192 : i32
        %ne3A_210 = arith.constant 0 : i32
        %ne3A_211 = arith.cmpi ne, %rem3A_209, %ne3A_210 : i32
        %and3A_212 = arith.andi %ne3A_208, %ne3A_211 : i1
        %sub3A_213 = arith.constant 1 : i32
        %sub3A_214 = arith.subi %div3A_193, %sub3A_213 : i32
        %select_n3A_215 = arith.select %and3A_212, %sub3A_214, %div3A_193 : i32
        %jit3A_216 = arith.constant 4096 : i32
        %eq3A_217 = arith.constant 0 : i32
        %eq3A_218 = arith.cmpi eq, %jit3A_216, %eq3A_217 : i32
        %jit3A_219 = arith.constant 1 : i32
        %select_n3A_220 = arith.select %eq3A_218, %jit3A_219, %jit3A_216 : i32
        %rem3A_221 = arith.remsi %add3A_191, %select_n3A_220 : i32
        %ne3A_222 = arith.constant 0 : i32
        %ne3A_223 = arith.cmpi ne, %rem3A_221, %ne3A_222 : i32
        %lt3A_224 = arith.constant 0 : i32
        %lt3A_225 = arith.cmpi slt, %rem3A_221, %lt3A_224 : i32
        %lt3A_226 = arith.constant 0 : i32
        %lt3A_227 = arith.cmpi slt, %select_n3A_220, %lt3A_226 : i32
        %ne3A_228 = arith.xori %lt3A_225, %lt3A_227 : i1
        %and3A_229 = arith.andi %ne3A_228, %ne3A_223 : i1
        %add3A_230 = arith.addi %rem3A_221, %select_n3A_220 : i32
        %select_n3A_231 = arith.select %and3A_229, %add3A_230, %rem3A_221 : i32
        %dma_start3A_232 = arith.constant 0 : i32
        %dma_start3A_233 = tpu.memref_slice %arg4[%select_n3A_215, %select_n3A_231, %dma_start3A_232] : memref<50x4096x128xf32, #tpu.memory_space<hbm>> -> memref<1x128x128xf32, #tpu.memory_space<hbm>>
        %dma_start3A_234 = tpu.memref_squeeze %dma_start3A_233 : memref<1x128x128xf32, #tpu.memory_space<hbm>> -> memref<128x128xf32, #tpu.memory_space<hbm>>
        %dma_start3A_235 = arith.constant 0 : i32
        %dma_start3A_236 = tpu.memref_slice %arg4[%select_n3A_215, %select_n3A_231, %dma_start3A_235] : memref<50x4096x128xf32, #tpu.memory_space<hbm>> -> memref<1x128x128xf32, #tpu.memory_space<hbm>>
        %dma_start3A_237 = tpu.memref_squeeze %dma_start3A_236 : memref<1x128x128xf32, #tpu.memory_space<hbm>> -> memref<128x128xf32, #tpu.memory_space<hbm>>
        tpu.enqueue_dma source(%arg11 : memref<128x128xf32, #tpu.memory_space<vmem>>) target(%dma_start3A_237 : memref<128x128xf32, #tpu.memory_space<hbm>>) target_semaphore(%arg17 : memref<!tpu.dma_semaphore, #tpu.memory_space<semaphore_mem>>)
      } else {
      }
    }
    %scan3A_15 = arith.constant 17 : i32
    %add3A_16 = arith.constant 6016 : i32
    %add3A_17 = arith.addi %mul3A_2, %add3A_16 : i32
    %jit3A = arith.constant 4096 : i32
    %div3A = arith.divsi %add3A_17, %jit3A : i32
    %sign3A = arith.constant 0 : i32
    %sign3A_18 = arith.cmpi sgt, %add3A_17, %sign3A : i32
    %sign3A_19 = arith.extui %sign3A_18 : i1 to i32
    %sign3A_20 = arith.constant 0 : i32
    %sign3A_21 = arith.cmpi slt, %add3A_17, %sign3A_20 : i32
    %sign3A_22 = arith.extui %sign3A_21 : i1 to i32
    %sign3A_23 = arith.subi %sign3A_19, %sign3A_22 : i32
    %sign3A_24 = arith.constant 0 : i32
    %sign3A_25 = arith.cmpi sgt, %jit3A, %sign3A_24 : i32
    %sign3A_26 = arith.extui %sign3A_25 : i1 to i32
    %sign3A_27 = arith.constant 0 : i32
    %sign3A_28 = arith.cmpi slt, %jit3A, %sign3A_27 : i32
    %sign3A_29 = arith.extui %sign3A_28 : i1 to i32
    %sign3A_30 = arith.subi %sign3A_26, %sign3A_29 : i32
    %ne3A = arith.cmpi ne, %sign3A_23, %sign3A_30 : i32
    %rem3A = arith.remsi %add3A_17, %jit3A : i32
    %ne3A_31 = arith.constant 0 : i32
    %ne3A_32 = arith.cmpi ne, %rem3A, %ne3A_31 : i32
    %and3A = arith.andi %ne3A, %ne3A_32 : i1
    %sub3A = arith.constant 1 : i32
    %sub3A_33 = arith.subi %div3A, %sub3A : i32
    %select_n3A = arith.select %and3A, %sub3A_33, %div3A : i32
    %jit3A_34 = arith.constant 4096 : i32
    %eq3A = arith.constant 0 : i32
    %eq3A_35 = arith.cmpi eq, %jit3A_34, %eq3A : i32
    %jit3A_36 = arith.constant 1 : i32
    %select_n3A_37 = arith.select %eq3A_35, %jit3A_36, %jit3A_34 : i32
    %rem3A_38 = arith.remsi %add3A_17, %select_n3A_37 : i32
    %ne3A_39 = arith.constant 0 : i32
    %ne3A_40 = arith.cmpi ne, %rem3A_38, %ne3A_39 : i32
    %lt3A = arith.constant 0 : i32
    %lt3A_41 = arith.cmpi slt, %rem3A_38, %lt3A : i32
    %lt3A_42 = arith.constant 0 : i32
    %lt3A_43 = arith.cmpi slt, %select_n3A_37, %lt3A_42 : i32
    %ne3A_44 = arith.xori %lt3A_41, %lt3A_43 : i1
    %and3A_45 = arith.andi %ne3A_44, %ne3A_40 : i1
    %add3A_46 = arith.addi %rem3A_38, %select_n3A_37 : i32
    %select_n3A_47 = arith.select %and3A_45, %add3A_46, %rem3A_38 : i32
    %dma_wait3A = arith.constant 0 : i32
    %dma_wait3A_48 = tpu.memref_slice %arg4[%select_n3A, %select_n3A_47, %dma_wait3A] : memref<50x4096x128xf32, #tpu.memory_space<hbm>> -> memref<1x128x128xf32, #tpu.memory_space<hbm>>
    %dma_wait3A_49 = tpu.memref_squeeze %dma_wait3A_48 : memref<1x128x128xf32, #tpu.memory_space<hbm>> -> memref<128x128xf32, #tpu.memory_space<hbm>>
    %dma_wait3A_50 = arith.constant 0 : i32
    %dma_wait3A_51 = tpu.memref_slice %arg4[%select_n3A, %select_n3A_47, %dma_wait3A_50] : memref<50x4096x128xf32, #tpu.memory_space<hbm>> -> memref<1x128x128xf32, #tpu.memory_space<hbm>>
    %dma_wait3A_52 = tpu.memref_squeeze %dma_wait3A_51 : memref<1x128x128xf32, #tpu.memory_space<hbm>> -> memref<128x128xf32, #tpu.memory_space<hbm>>
    tpu.wait_dma2 semaphore(%arg17 : memref<!tpu.dma_semaphore, #tpu.memory_space<semaphore_mem>>) src(%arg11 : memref<128x128xf32, #tpu.memory_space<vmem>>) dst(%dma_wait3A_52 : memref<128x128xf32, #tpu.memory_space<hbm>>)
    %add3A_53 = arith.constant 6144 : i32
    %add3A_54 = arith.addi %mul3A_2, %add3A_53 : i32
    %jit3A_55 = arith.constant 4096 : i32
    %div3A_56 = arith.divsi %add3A_54, %jit3A_55 : i32
    %sign3A_57 = arith.constant 0 : i32
    %sign3A_58 = arith.cmpi sgt, %add3A_54, %sign3A_57 : i32
    %sign3A_59 = arith.extui %sign3A_58 : i1 to i32
    %sign3A_60 = arith.constant 0 : i32
    %sign3A_61 = arith.cmpi slt, %add3A_54, %sign3A_60 : i32
    %sign3A_62 = arith.extui %sign3A_61 : i1 to i32
    %sign3A_63 = arith.subi %sign3A_59, %sign3A_62 : i32
    %sign3A_64 = arith.constant 0 : i32
    %sign3A_65 = arith.cmpi sgt, %jit3A_55, %sign3A_64 : i32
    %sign3A_66 = arith.extui %sign3A_65 : i1 to i32
    %sign3A_67 = arith.constant 0 : i32
    %sign3A_68 = arith.cmpi slt, %jit3A_55, %sign3A_67 : i32
    %sign3A_69 = arith.extui %sign3A_68 : i1 to i32
    %sign3A_70 = arith.subi %sign3A_66, %sign3A_69 : i32
    %ne3A_71 = arith.cmpi ne, %sign3A_63, %sign3A_70 : i32
    %rem3A_72 = arith.remsi %add3A_54, %jit3A_55 : i32
    %ne3A_73 = arith.constant 0 : i32
    %ne3A_74 = arith.cmpi ne, %rem3A_72, %ne3A_73 : i32
    %and3A_75 = arith.andi %ne3A_71, %ne3A_74 : i1
    %sub3A_76 = arith.constant 1 : i32
    %sub3A_77 = arith.subi %div3A_56, %sub3A_76 : i32
    %select_n3A_78 = arith.select %and3A_75, %sub3A_77, %div3A_56 : i32
    %jit3A_79 = arith.constant 4096 : i32
    %eq3A_80 = arith.constant 0 : i32
    %eq3A_81 = arith.cmpi eq, %jit3A_79, %eq3A_80 : i32
    %jit3A_82 = arith.constant 1 : i32
    %select_n3A_83 = arith.select %eq3A_81, %jit3A_82, %jit3A_79 : i32
    %rem3A_84 = arith.remsi %add3A_54, %select_n3A_83 : i32
    %ne3A_85 = arith.constant 0 : i32
    %ne3A_86 = arith.cmpi ne, %rem3A_84, %ne3A_85 : i32
    %lt3A_87 = arith.constant 0 : i32
    %lt3A_88 = arith.cmpi slt, %rem3A_84, %lt3A_87 : i32
    %lt3A_89 = arith.constant 0 : i32
    %lt3A_90 = arith.cmpi slt, %select_n3A_83, %lt3A_89 : i32
    %ne3A_91 = arith.xori %lt3A_88, %lt3A_90 : i1
    %and3A_92 = arith.andi %ne3A_91, %ne3A_86 : i1
    %add3A_93 = arith.addi %rem3A_84, %select_n3A_83 : i32
    %select_n3A_94 = arith.select %and3A_92, %add3A_93, %rem3A_84 : i32
    %dma_wait3A_95 = arith.constant 0 : i32
    %dma_wait3A_96 = tpu.memref_slice %arg4[%select_n3A_78, %select_n3A_94, %dma_wait3A_95] : memref<50x4096x128xf32, #tpu.memory_space<hbm>> -> memref<1x128x128xf32, #tpu.memory_space<hbm>>
    %dma_wait3A_97 = tpu.memref_squeeze %dma_wait3A_96 : memref<1x128x128xf32, #tpu.memory_space<hbm>> -> memref<128x128xf32, #tpu.memory_space<hbm>>
    %dma_wait3A_98 = arith.constant 0 : i32
    %dma_wait3A_99 = tpu.memref_slice %arg4[%select_n3A_78, %select_n3A_94, %dma_wait3A_98] : memref<50x4096x128xf32, #tpu.memory_space<hbm>> -> memref<1x128x128xf32, #tpu.memory_space<hbm>>
    %dma_wait3A_100 = tpu.memref_squeeze %dma_wait3A_99 : memref<1x128x128xf32, #tpu.memory_space<hbm>> -> memref<128x128xf32, #tpu.memory_space<hbm>>
    tpu.wait_dma2 semaphore(%arg15 : memref<!tpu.dma_semaphore, #tpu.memory_space<semaphore_mem>>) src(%arg9 : memref<128x128xf32, #tpu.memory_space<vmem>>) dst(%dma_wait3A_100 : memref<128x128xf32, #tpu.memory_space<hbm>>)
    %add3A_101 = arith.constant 6272 : i32
    %add3A_102 = arith.addi %mul3A_2, %add3A_101 : i32
    %jit3A_103 = arith.constant 4096 : i32
    %div3A_104 = arith.divsi %add3A_102, %jit3A_103 : i32
    %sign3A_105 = arith.constant 0 : i32
    %sign3A_106 = arith.cmpi sgt, %add3A_102, %sign3A_105 : i32
    %sign3A_107 = arith.extui %sign3A_106 : i1 to i32
    %sign3A_108 = arith.constant 0 : i32
    %sign3A_109 = arith.cmpi slt, %add3A_102, %sign3A_108 : i32
    %sign3A_110 = arith.extui %sign3A_109 : i1 to i32
    %sign3A_111 = arith.subi %sign3A_107, %sign3A_110 : i32
    %sign3A_112 = arith.constant 0 : i32
    %sign3A_113 = arith.cmpi sgt, %jit3A_103, %sign3A_112 : i32
    %sign3A_114 = arith.extui %sign3A_113 : i1 to i32
    %sign3A_115 = arith.constant 0 : i32
    %sign3A_116 = arith.cmpi slt, %jit3A_103, %sign3A_115 : i32
    %sign3A_117 = arith.extui %sign3A_116 : i1 to i32
    %sign3A_118 = arith.subi %sign3A_114, %sign3A_117 : i32
    %ne3A_119 = arith.cmpi ne, %sign3A_111, %sign3A_118 : i32
    %rem3A_120 = arith.remsi %add3A_102, %jit3A_103 : i32
    %ne3A_121 = arith.constant 0 : i32
    %ne3A_122 = arith.cmpi ne, %rem3A_120, %ne3A_121 : i32
    %and3A_123 = arith.andi %ne3A_119, %ne3A_122 : i1
    %sub3A_124 = arith.constant 1 : i32
    %sub3A_125 = arith.subi %div3A_104, %sub3A_124 : i32
    %select_n3A_126 = arith.select %and3A_123, %sub3A_125, %div3A_104 : i32
    %jit3A_127 = arith.constant 4096 : i32
    %eq3A_128 = arith.constant 0 : i32
    %eq3A_129 = arith.cmpi eq, %jit3A_127, %eq3A_128 : i32
    %jit3A_130 = arith.constant 1 : i32
    %select_n3A_131 = arith.select %eq3A_129, %jit3A_130, %jit3A_127 : i32
    %rem3A_132 = arith.remsi %add3A_102, %select_n3A_131 : i32
    %ne3A_133 = arith.constant 0 : i32
    %ne3A_134 = arith.cmpi ne, %rem3A_132, %ne3A_133 : i32
    %lt3A_135 = arith.constant 0 : i32
    %lt3A_136 = arith.cmpi slt, %rem3A_132, %lt3A_135 : i32
    %lt3A_137 = arith.constant 0 : i32
    %lt3A_138 = arith.cmpi slt, %select_n3A_131, %lt3A_137 : i32
    %ne3A_139 = arith.xori %lt3A_136, %lt3A_138 : i1
    %and3A_140 = arith.andi %ne3A_139, %ne3A_134 : i1
    %add3A_141 = arith.addi %rem3A_132, %select_n3A_131 : i32
    %select_n3A_142 = arith.select %and3A_140, %add3A_141, %rem3A_132 : i32
    %dma_wait3A_143 = arith.constant 0 : i32
    %dma_wait3A_144 = tpu.memref_slice %arg4[%select_n3A_126, %select_n3A_142, %dma_wait3A_143] : memref<50x4096x128xf32, #tpu.memory_space<hbm>> -> memref<1x128x128xf32, #tpu.memory_space<hbm>>
    %dma_wait3A_145 = tpu.memref_squeeze %dma_wait3A_144 : memref<1x128x128xf32, #tpu.memory_space<hbm>> -> memref<128x128xf32, #tpu.memory_space<hbm>>
    %dma_wait3A_146 = arith.constant 0 : i32
    %dma_wait3A_147 = tpu.memref_slice %arg4[%select_n3A_126, %select_n3A_142, %dma_wait3A_146] : memref<50x4096x128xf32, #tpu.memory_space<hbm>> -> memref<1x128x128xf32, #tpu.memory_space<hbm>>
    %dma_wait3A_148 = tpu.memref_squeeze %dma_wait3A_147 : memref<1x128x128xf32, #tpu.memory_space<hbm>> -> memref<128x128xf32, #tpu.memory_space<hbm>>
    tpu.wait_dma2 semaphore(%arg16 : memref<!tpu.dma_semaphore, #tpu.memory_space<semaphore_mem>>) src(%arg10 : memref<128x128xf32, #tpu.memory_space<vmem>>) dst(%dma_wait3A_148 : memref<128x128xf32, #tpu.memory_space<hbm>>)
    return
  }
}

</mosaic_0001>

<sc_bundles>
// kernel: kernel.3.cloned.1.call-start
scs
__scs_entry_jumppad:
0x0: {  	(pc) =	sbr.rel $0x88, $3  }
0x1: {  	(tag) =	ssettag $0x0;
	lr =	simm.s32 $0x1  }
0x2: {  	[smem:$0x3F9F] =	sst lr;
	_ =	strace $0xD0000000  }
0x3: {  	_ = 	snop  }
0x4: {  	_ = 	snop  }
0x5: {  	_ = 	snop  }
0x6: {  	_ = 	snop  }
0x7: {  	_ = 	snop  }
__scs_overlays_trampoline_lowered:
0x8: {  	[smem:$0x3FAE] =	sst s0  }
0x9: {  	[smem:$0x3FAF] =	sst s1  }
0xa: {  	[smem:$0x3FB0] =	sst s2  }
0xb: {  	[smem:$0x3FB1] =	sst s3  }
0xc: {  	[smem:$0x3FB2] =	sst s4  }
0xd: {  	[smem:$0x3FB3] =	sst s5  }
0xe: {  	[smem:$0x3FB4] =	sst s6  }
0xf: {  	[smem:$0x3FB5] =	sst s7  }
0x10: {  	[smem:$0x3FB6] =	sst s8  }
0x11: {  	[smem:$0x3FB7] =	sst s9;
	s0 =	simm.s32 @!p0 $0x0  }
0x12: {  	s1 =	sld [smem:$0x3F9D];
	s0 =	simm.s32 @p0 $0x1  }
0x13: {  	[smem:$0x3FB8] =	sst s0;
	s0 =	simm.s32 @!p1 $0x0  }
0x14: {  	s2 =	sld [smem:$0x3F9C];
	s0 =	simm.s32 @p1 $0x1  }
0x15: {  	[smem:$0x3FB9] =	sst s0;
	s0 =	simm.s32 @!p2 $0x0  }
0x16: {  	s3 =	sld [smem:$0x3FDB];
	s0 =	simm.s32 @p2 $0x1  }
0x17: {  	s4 =	simm.s32 $0x1BF5;
	[smem:$0x3FBB] =	sst s0  }
0x18: {  	s0 =	sld [smem:$0x3F9E];
	_ =	swait.ge [sflag:s4], $0x0  }
0x19: {  	s7 =	sld [smem:$0x3F9F]  }
0x1a: {  	s8 =	sadd.s32 $0xFFFFE003, lr  }
0x1b: {  	s9 =	sadd.s32 $0xFFFFFEF7, lr;
	s5 =	simm.s32 $0xFFFFFFFF;
	p2 =	slt.u32 s8, $0xFFFFF086  }
0x1c: {  	p1 =	slt.u32 s9, $0xF7A;
	s5 =	simm.s32 @!p2 $0x0  }
0x1d: {  	s5 =	simm.s32 @p1 $0x1;
	p0 =	seq.s32 s7, s2  }
0x1e: {  	s7 =	smul.u32 @!p0 $0xF7A, s2;
	p2 =	seq.s32 @!p0 s5, $0x0  }
0x1f: {  	s9 =	smul.u32 $0xF7A, s1;
	s8 =	simm.s32 @!p0 $0x1BF5;
	p2 =	por !p2, p0  }
0x20: {  	[sflag:s8] =	ssyncset.s32 @!p0 $0xFFFFF086;
	s6 =	sadd.s32 @!p0 s3, s7;
	s7 =	simm.s32 @!p0 $0x108  }
0x21: {  	s3 =	sadd.s32 s3, s9;
	s6 =	sadd.s32 @!p0 $0x88, s6;
	s7 =	simm.s32 @p2 $0x1082  }
0x22: {  	[simem:s7], [sflag:s8] =	dma.local @!p0 [hbm:s6], $0xF7A  }
0x23: {  	s9 =	sor.u32 $0xD0000000, s2;
	s6 =	simm.s32 $0x108;
	_ =	swait.ge @!p0 [sflag:s8], $0x0  }
0x24: {  	s3 =	sadd.s32 $0x88, s3;
	s6 =	simm.s32 @!p1 $0x1082;
	[sflag:s4] =	ssyncset.s32 $0xFFFFF086  }
0x25: {  	[simem:s6], [sflag:s4] =	dma.local [hbm:s3], $0xF7A  }
0x26: {  	[smem:$0x3F9F] =	sst s1;
	(tag) =	ssettag s2;
	_ =	strace s9  }
0x27: {  	s1 =	sld [smem:$0x3FAF]  }
0x28: {  	s2 =	sld [smem:$0x3FB0]  }
0x29: {  	s4 =	sld [smem:$0x3FB2]  }
0x2a: {  	p0 =	seq.s32 s5, $0x0;
	s5 =	sld [smem:$0x3FB3]  }
0x2b: {  	s6 =	sld [smem:$0x3FB4]  }
0x2c: {  	s7 =	sld [smem:$0x3FB5]  }
0x2d: {  	s3 =	simm.s32 $0x108;
	s8 =	sld [smem:$0x3FB6]  }
0x2e: {  	s3 =	simm.s32 @!p0 $0x1082;
	s9 =	sld [smem:$0x3FB7]  }
0x2f: {  	lr =	sadd.s32 s0, s3;
	s0 =	sld [smem:$0x3FAE]  }
0x30: {  	s3 =	sld [smem:$0x3FB1]  }
0x31: {  	[smem:$0x3FBA] =	sst s10  }
0x32: {  	s10 =	sld [smem:$0x3FB8];
	_ =	sdelay $0x3  }
0x33: {  	p0 =	seq.s32 s10, $0x1;
	s10 =	sld [smem:$0x3FBA];
	_ =	sdelay $0x3  }
0x34: {  	[smem:$0x3FBA] =	sst s10  }
0x35: {  	s10 =	sld [smem:$0x3FB9];
	_ =	sdelay $0x3  }
0x36: {  	p1 =	seq.s32 s10, $0x1;
	s10 =	sld [smem:$0x3FBA];
	_ =	sdelay $0x3  }
0x37: {  	[smem:$0x3FBA] =	sst s10  }
0x38: {  	s10 =	sld [smem:$0x3FBB]  }
0x39: {  	_ = 	snop;
	(pc) =	sbr.ind lr, $3  }
0x3a: {  	_ = 	snop  }
0x3b: {  	_ = 	snop  }
0x3c: {  	p2 =	seq.s32 s10, $0x1;
	s10 =	sld [smem:$0x3FBA]  }
0x3d: {  	_ =	shalt  }
0x3e: {  	_ =	shalt  }
0x3f: {  	_ =	shalt  }
0x40: {  	_ =	shalt  }
0x41: {  	_ =	shalt  }
0x42: {  	_ =	shalt  }
0x43: {  	_ =	shalt  }
0x44: {  	_ =	shalt  }
0x45: {  	_ =	shalt  }
0x46: {  	_ =	shalt  }
0x47: {  	_ =	shalt  }
0x48: {  	_ =	shalt  }
0x49: {  	_ =	shalt  }
0x4a: {  	_ =	shalt  }
0x4b: {  	_ =	shalt  }
0x4c: {  	_ =	shalt  }
0x4d: {  	_ =	shalt  }
0x4e: {  	_ =	shalt  }
0x4f: {  	_ =	shalt  }
0x50: {  	_ =	shalt  }
0x51: {  	_ =	shalt  }
0x52: {  	_ =	shalt  }
0x53: {  	_ =	shalt  }
0x54: {  	_ =	shalt  }
0x55: {  	_ =	shalt  }
0x56: {  	_ =	shalt  }
0x57: {  	_ =	shalt  }
0x58: {  	_ =	shalt  }
0x59: {  	_ =	shalt  }
0x5a: {  	_ =	shalt  }
0x5b: {  	_ =	shalt  }
0x5c: {  	_ =	shalt  }
0x5d: {  	_ =	shalt  }
0x5e: {  	_ =	shalt  }
0x5f: {  	_ =	shalt  }
0x60: {  	_ =	shalt  }
0x61: {  	_ =	shalt  }
0x62: {  	_ =	shalt  }
0x63: {  	_ =	shalt  }
0x64: {  	_ =	shalt  }
0x65: {  	_ =	shalt  }
0x66: {  	_ =	shalt  }
0x67: {  	_ =	shalt  }
0x68: {  	_ =	shalt  }
0x69: {  	_ =	shalt  }
0x6a: {  	_ =	shalt  }
0x6b: {  	_ =	shalt  }
0x6c: {  	_ =	shalt  }
0x6d: {  	_ =	shalt  }
0x6e: {  	_ =	shalt  }
0x6f: {  	_ =	shalt  }
0x70: {  	_ =	shalt  }
0x71: {  	_ =	shalt  }
0x72: {  	_ =	shalt  }
0x73: {  	_ =	shalt  }
0x74: {  	_ =	shalt  }
0x75: {  	_ =	shalt  }
0x76: {  	_ =	shalt  }
0x77: {  	_ =	shalt  }
0x78: {  	_ =	shalt  }
0x79: {  	_ =	shalt  }
0x7a: {  	_ =	shalt  }
0x7b: {  	_ =	shalt  }
0x7c: {  	_ =	shalt  }
0x7d: {  	_ =	shalt  }
0x7e: {  	_ =	shalt  }
0x7f: {  	_ =	shalt  }
0x80: {  	_ =	shalt  }
0x81: {  	_ =	shalt  }
0x82: {  	_ =	shalt  }
0x83: {  	_ =	shalt  }
0x84: {  	_ =	shalt  }
0x85: {  	_ =	shalt  }
0x86: {  	_ =	shalt  }
0x87: {  	_ =	shalt  }
.Lfunc_end0:
.L_simem_size_0:
called_computation_lowered:
.L_overlay_start_0:
0x88: {  	s2 =	sld [smem:$0x3FD9]  }
0x89: {  	s3 =	sld [smem:$0x3FFE];
	_ =	sdelay $0x1  }
0x8a: {  	s1 =	srdreg.scid  }
0x8b: {  	s0 =	sand.u32 $0x1, s1  }
0x8c: {  	s17 =	sshll.u32 s0, $0xA;
	s2 =	sadd.s32 s3, s2  }
0x8d: {  	s2 =	sadd.s32 s2, s17  }
0x8e: {  	[smem:$0x3FC6] =	sst s2  }
0x8f: {  	_ = 	snop  }
0x90: {  	s2 =	sld [smem:$0x3FC8]  }
0x91: {  	s18 =	sld [smem:$0x3FD0];
	(tm) =	ssettm $0x1  }
0x92: {  	s4 =	sld [smem:$0x3FFB];
	_ =	sdelay $0x3  }
0x93: {  	_ =	strace s4  }
0x94: {  	s4 =	sld [smem:$0x3FFC];
	_ =	sdelay $0x3  }
0x95: {  	_ =	strace s4  }
0x96: {  	s4 =	sld [smem:$0x3FFD];
	_ =	sdelay $0x3  }
0x97: {  	_ =	strace s4  }
0x98: {  	_ =	strace $0x8FFFFFFF  }
0x99: {  	s19 =	sld [smem:$0x3FDB];
	_ =	sdelay $0x1  }
0x9a: {  	s5 =	simm.s32 $_scs_section_size  }
0x9b: {  	s6 =	simm.s32 $_size__tile_overlayer_lowered;
	s7 =	simm.s32 $_tile_overlayer_lowered  }
0x9c: {  	s22 =	simm.s32 $0x1BFF;
	s21 =	sshll.u32 s7, $0x1;
	s4 =	sadd.s32 s5, s19  }
0x9d: {  	s8 =	simm.s32 $0x0;
	s20 =	sshll.u32 s6, $0x1;
	s6 =	sadd.s32 s21, s4  }
0x9e: {  	[timem:s8], [sflag:s22] =	dma.local [hbm:s6], s20  }
0x9f: {  	_ =	swait.ge [sflag:s22], s20  }
0xa0: {  	s5 =	ssub.s32 $0x0, s20;
	[sflag:s22] =	ssyncset.done $0x0  }
0xa1: {  	[sflag:s22] =	ssyncadd.s32 s5;
	_ =	sdelay $0x1  }
0xa2: {  	s23 =	simm.s32 $0x1B8B  }
0xa3: {  	_ =	swait.ge [sflag:s23], $0x1  }
0xa4: {  	[sflag:s23] =	ssyncset.done $0x0  }
0xa5: {  	s25 =	simm.s32 $0x1B8E;
	s24 =	sld [smem:$0x3FFE];
	[sflag:s23] =	ssyncadd.s32 $0xFFFFFFFF  }
0xa6: {  	s26 =	simm.s32 $execute0_lowered;
	[smem:$0x3FD2] =	sst s25  }
0xa7: {  	s6 =	sshll.u32 s26, $0x1;
	_ =	strace $0x80000046;
	[dreg:$0x1] =	wrdreg $0xFFFFFFFF  }
0xa8: {  	s28 =	simm.s32 $_size_execute0_lowered;
	s4 =	sadd.s32 s4, s6;
	[dreg:$0x0] =	wrdreg $0x0  }
0xa9: {  	s6 =	sshll.u32 s28, $0x1;
	[dreg:$0x2] =	wrdreg s4  }
0xaa: {  	[dreg:$0x3] =	wrdreg s6  }
0xab: {  	[dreg:$0x4] =	wrdreg $0xC0  }
0xac: {  	_ =	task [dreg:s8], $0x5FFFF  }
0xad: {  	[dreg:$0x1] =	wrdreg $0xFFFFFFFF  }
0xae: {  	[dreg:$0x0] =	wrdreg $0x60  }
0xaf: {  	[dreg:$0x2] =	wrdreg s2  }
0xb0: {  	[dreg:$0x3] =	wrdreg s24  }
0xb1: {  	[dreg:$0x4] =	wrdreg s18  }
0xb2: {  	[dreg:$0x5] =	wrdreg $0x9  }
0xb3: {  	_ =	task.clear_ibuf [dreg:s8], $0x6FFFF;
	_ =	strace $0x90000046  }
0xb4: {  	s29 =	simm.s32 $0x9;
	_ =	strace $0x80000048  }
0xb5: {  	_ =	swait.ge [sflag:s29], $0x1  }
0xb6: {  	[sflag:s29] =	ssyncadd.s32 $0xFFFFFFFF  }
0xb7: {  	_ =	strace $0x90000048  }
0xb8: {  	_ =	sfence  }
0xb9: {  	s30 =	sld [smem:$0x0];
	_ =	sdelay $0x2  }
0xba: {  	s31 =	sshll.u32 s1, $0xD;
	s1 =	sshrl.u32 s1, $0x2  }
0xbb: {  	s3 =	sand.u32 $0x4000, s31;
	s1 =	sadd.s32 s1, s30  }
0xbc: {  	s0 =	sor.u32 s3, s0;
	s1 =	sshll.u32 s1, $0x11  }
0xbd: {  	s0 =	sor.u32 s1, s0  }
0xbe: {  	s0 =	sadd.s32 $0x8F2B, s0  }
0xbf: {  	[sflag:s0] =	ssyncadd.remote.s32 $0x1  }
0xc0: {  	_ =	sfence.sel $0xFFFF  }
0xc1: {  	[dreg:$0x0] =	wrdreg $0xFFFFFFFF;
	(pc) =	sbr.abs _section_cstart, $3  }
0xc2: {  	[dreg:$0x1] =	wrdreg $0xFFFFFFFF  }
0xc3: {  	_ =	task.clear_ibuf [dreg:s8], $0x2FFFF;
	_ =	strace $0x9FFFFFFF  }
0xc4: {  	(tm) =	ssettm $0x7FFFFFFF  }
0xc5: {  	_ =	shalt  }
tec
execute0_lowered:
.L_overlay_start_1:
0x0: {  	(tag) =	ssettag $0x1  }
0x1: {  	s2 =	srdreg.scid;
	s1 =	rddreg [dreg:$0x0]  }
0x2: {  	s0 =	stileid.u32;
	s7 =	rddreg [dreg:$0x1]  }
0x3: {  	s3 =	rddreg [dreg:$0x2];
	s5 =	simm.s32 $0x0;
	s10 =	simm.s32 $0x7  }
0x4: {  	s11 =	simm.s32 $0x80;
	s12 =	simm.s32 $0x1900;
	s13 =	simm.s32 $0x5900  }
0x5: {  	s14 =	simm.s32 $0x1;
	s15 =	simm.s32 $0xD900;
	s16 =	simm.s32 $0x2  }
0x6: {  	s17 =	simm.s32 $0x11900;
	s6 =	sand.u32 $0x1, s2;
	s31 =	sshll.u32 s0, $0x1  }
0x7: {  	s18 =	simm.s32 $0x6;
	s19 =	simm.s32 $0x4;
	s2 =	sor.u32 s6, s31  }
0x8: {  	s20 =	simm.s32 $0x5;
	s21 =	simm.s32 $0x3;
	s4 =	smul.u32 $0x1900, s2  }
.Ltmp0:
0x9: {  	s22 =	simm.s32 $0x15900;
	s6 =	ssub.s32 $0x2, s6;
	(pc) =	sbr.rel .LBB2_1-.Ltmp0, $4  }
0xa: {  	s23 =	simm.s32 $0x0;
	[smem:$0x7FF] =	sst s5;
	s9 =	sshrl.u32 s6, $0x1  }
0xb: {  	s2 =	rddreg [dreg:$0x3];
	s9 =	ssub.s32 s6, s9;
	s8 =	sshrl.u32 s4, $0x3  }
0xc: {  	_ =	strace $0x80000047;
	s9 =	smax.u32 s9, $0x1;
	s7 =	sadd.s32 s8, s7  }
0xd: {  	s8 =	sadd.s32 $0x100, s4;
	s6 =	sadd.s32 $0x400, s7;
	s7 =	sor.u32 $0x80, s4  }
.LBB2_10:
0xe: {  	_ =	swait.ge [sflag:s18], $0x4000  }
0xf: {  	[sflag:s18] =	ssyncset.done $0x0  }
0x10: {  	s23 =	sadd.s32 $0x1, s23;
	[sflag:s18] =	ssyncadd.s32 $0xFFFFC000  }
0x11: {  	p0 =	sne.s32 s23, s9;
	_ =	swait.ge [sflag:s19], $0x4000  }
.Ltmp1:
0x12: {  	[sflag:s19] =	ssyncset.done $0x0;
	(pc) =	sbr.rel @!p0 .LBB2_11-.Ltmp1, $4  }
0x13: {  	[sflag:s19] =	ssyncadd.s32 $0xFFFFC000  }
0x14: {  	_ =	swait.ge [sflag:s20], $0x4000  }
0x15: {  	[sflag:s20] =	ssyncset.done $0x0  }
0x16: {  	[sflag:s20] =	ssyncadd.s32 $0xFFFFC000  }
.LBB2_1:
0x17: {  	[tilespmem:s5], [sflag:$0x7] =	stream.linear.gather [hbm4b:s6+s5], $0x1900, $0x38;
	[tilespmem:$0x19900] =	vst v63  }
0x18: {  	_ =	swait.ge [sflag:s10], $0x1900  }
0x19: {  	[sflag:s10] =	ssyncset.done $0x0  }
0x1a: {  	[sflag:s10] =	ssyncadd.s32 $0xFFFFE700  }
0x1b: {  	[tilespmem:s12], [sflag:$0x1] =	stream.indirect.gather [hbm4b:s1+s11], $0x80, s5, s11, $0xb8;
	[tilespmem:$0x19900] =	vst v63  }
0x1c: {  	s24 =	simm.s32 $0x0  }
0x1d: {  	[tilespmem:s13], [sflag:$0x2] =	stream.indirect.gather [hbm4b:s1+s11], $0x80, s11, s11, $0xb8;
	[tilespmem:$0x19900] =	vst v63  }
.LBB2_2:
0x1e: {  	p0 =	seq.s32 s24, $0x10  }
0x1f: {  	_ =	swait.ge [sflag:s14], $0x4000;
	s25 =	smul.u32 @!p0 $0x600, s24  }
0x20: {  	[sflag:s14] =	ssyncset.done $0x0;
	s28 =	simm.s32 @!p0 $0x80  }
0x21: {  	s29 =	simm.s32 @!p0 $0x9900;
	p1 =	seq.s32 @!p0 s24, $0x0;
	s26 =	sshra.s32 @!p0 s25, $0x2  }
0x22: {  	[sflag:s14] =	ssyncadd.s32 $0xFFFFC000;
	p1 =	por p0, !p1;
	s25 =	sadd.s32 @!p0 $0x100, s26  }
0x23: {  	[tilespmem:s29], [sflag:$0x3] =	stream.indirect.gather @!p0 [hbm4b:s1+s28], $0x80, s25, s28, $0xb8;
	[tilespmem:$0x19900] =	vst v63  }
0x24: {  	_ =	swait.ge @p1 [sflag:s19], $0x4000  }
0x25: {  	[sflag:s19] =	ssyncset.done @p1 $0x0  }
0x26: {  	s29 =	simm.s32 $0x1B00;
	[sflag:s19] =	ssyncadd.s32 @p1 $0xFFFFC000  }
0x27: {  	v0 =	vld [tilespmem:s29+$0x180]  }
0x28: {  	v1 =	vld [tilespmem:s29+$0xFFFFFE80]  }
0x29: {  	v2 =	vld [tilespmem:s29+$0xFFFFFF00]  }
0x2a: {  	v3 =	vld [tilespmem:s29+$0xFFFFFF80]  }
0x2b: {  	v4 =	vld [tilespmem:s29+$0x0]  }
0x2c: {  	v5 =	vld [tilespmem:s29+$0x80];
	v0 =	vmul.f32 $1.000000000e+01, v0  }
0x2d: {  	s28 =	simm.s32 $0xDB00;
	v6 =	vld [tilespmem:s29+$0x100];
	v1 =	vmul.f32 $1.000000000e+01, v1  }
0x2e: {  	v7 =	vld [tilespmem:s29+$0xFFFFFE00];
	v2 =	vmul.f32 $1.000000000e+01, v2;
	[tilespmem:s28+$0x180] =	vst v0  }
0x2f: {  	[tilespmem:s28+$0xFFFFFE80] =	vst v1;
	v0 =	vmul.f32 $1.000000000e+01, v3;
	v1 =	vld [tilespmem:s29+$0x190]  }
0x30: {  	[tilespmem:s28+$0xFFFFFF00] =	vst v2;
	v2 =	vmul.f32 $1.000000000e+01, v4;
	v3 =	vld [tilespmem:s29+$0xFFFFFE90]  }
0x31: {  	v4 =	vld [tilespmem:s29+$0xFFFFFF10];
	[tilespmem:s28+$0xFFFFFF80] =	vst v0;
	v0 =	vmul.f32 $1.000000000e+01, v5  }
0x32: {  	[tilespmem:s28+$0x0] =	vst v2;
	v2 =	vmul.f32 $1.000000000e+01, v6;
	v5 =	vld [tilespmem:s29+$0xFFFFFF90]  }
0x33: {  	v6 =	vmul.f32 $1.000000000e+01, v7;
	v7 =	vld [tilespmem:s29+$0x10];
	[tilespmem:s28+$0x80] =	vst v0  }
0x34: {  	[tilespmem:s28+$0x100] =	vst v2;
	v0 =	vld [tilespmem:s29+$0x90];
	v1 =	vmul.f32 $1.000000000e+01, v1  }
0x35: {  	[tilespmem:s28+$0xFFFFFE00] =	vst v6;
	v2 =	vmul.f32 $1.000000000e+01, v3;
	v3 =	vld [tilespmem:s29+$0x110]  }
0x36: {  	v6 =	vld [tilespmem:s29+$0xFFFFFE10];
	v4 =	vmul.f32 $1.000000000e+01, v4;
	[tilespmem:s28+$0x190] =	vst v1  }
0x37: {  	[tilespmem:s28+$0xFFFFFE90] =	vst v2;
	v1 =	vmul.f32 $1.000000000e+01, v5;
	v2 =	vld [tilespmem:s29+$0x1A0]  }
0x38: {  	[tilespmem:s28+$0xFFFFFF10] =	vst v4;
	v4 =	vmul.f32 $1.000000000e+01, v7;
	v5 =	vld [tilespmem:s29+$0xFFFFFEA0]  }
0x39: {  	v7 =	vld [tilespmem:s29+$0xFFFFFF20];
	[tilespmem:s28+$0xFFFFFF90] =	vst v1;
	v0 =	vmul.f32 $1.000000000e+01, v0  }
0x3a: {  	[tilespmem:s28+$0x10] =	vst v4;
	v1 =	vld [tilespmem:s29+$0xFFFFFFA0];
	v3 =	vmul.f32 $1.000000000e+01, v3  }
0x3b: {  	v4 =	vmul.f32 $1.000000000e+01, v6;
	v6 =	vld [tilespmem:s29+$0x20];
	[tilespmem:s28+$0x90] =	vst v0  }
0x3c: {  	v0 =	vld [tilespmem:s29+$0xA0];
	[tilespmem:s28+$0x110] =	vst v3;
	v2 =	vmul.f32 $1.000000000e+01, v2  }
0x3d: {  	[tilespmem:s28+$0xFFFFFE10] =	vst v4;
	v3 =	vmul.f32 $1.000000000e+01, v5;
	v4 =	vld [tilespmem:s29+$0x120]  }
0x3e: {  	v5 =	vld [tilespmem:s29+$0xFFFFFE20];
	v7 =	vmul.f32 $1.000000000e+01, v7;
	[tilespmem:s28+$0x1A0] =	vst v2  }
0x3f: {  	[tilespmem:s28+$0xFFFFFEA0] =	vst v3;
	v1 =	vmul.f32 $1.000000000e+01, v1;
	v2 =	vld [tilespmem:s29+$0x1B0]  }
0x40: {  	[tilespmem:s28+$0xFFFFFF20] =	vst v7;
	v6 =	vmul.f32 $1.000000000e+01, v6;
	v3 =	vld [tilespmem:s29+$0xFFFFFEB0]  }
0x41: {  	v7 =	vld [tilespmem:s29+$0xFFFFFF30];
	[tilespmem:s28+$0xFFFFFFA0] =	vst v1;
	v0 =	vmul.f32 $1.000000000e+01, v0  }
0x42: {  	[tilespmem:s28+$0x20] =	vst v6;
	v1 =	vld [tilespmem:s29+$0xFFFFFFB0];
	v4 =	vmul.f32 $1.000000000e+01, v4  }
0x43: {  	v5 =	vmul.f32 $1.000000000e+01, v5;
	v6 =	vld [tilespmem:s29+$0x30];
	[tilespmem:s28+$0xA0] =	vst v0  }
0x44: {  	v0 =	vld [tilespmem:s29+$0xB0];
	[tilespmem:s28+$0x120] =	vst v4;
	v2 =	vmul.f32 $1.000000000e+01, v2  }
0x45: {  	[tilespmem:s28+$0xFFFFFE20] =	vst v5;
	v3 =	vmul.f32 $1.000000000e+01, v3;
	v4 =	vld [tilespmem:s29+$0x130]  }
0x46: {  	v5 =	vld [tilespmem:s29+$0xFFFFFE30];
	v7 =	vmul.f32 $1.000000000e+01, v7;
	[tilespmem:s28+$0x1B0] =	vst v2  }
0x47: {  	[tilespmem:s28+$0xFFFFFEB0] =	vst v3;
	v1 =	vmul.f32 $1.000000000e+01, v1;
	v2 =	vld [tilespmem:s29+$0x1C0]  }
0x48: {  	[tilespmem:s28+$0xFFFFFF30] =	vst v7;
	v6 =	vmul.f32 $1.000000000e+01, v6;
	v3 =	vld [tilespmem:s29+$0xFFFFFEC0]  }
0x49: {  	v7 =	vld [tilespmem:s29+$0xFFFFFF40];
	[tilespmem:s28+$0xFFFFFFB0] =	vst v1;
	v0 =	vmul.f32 $1.000000000e+01, v0  }
0x4a: {  	[tilespmem:s28+$0x30] =	vst v6;
	v1 =	vld [tilespmem:s29+$0xFFFFFFC0];
	v4 =	vmul.f32 $1.000000000e+01, v4  }
0x4b: {  	v5 =	vmul.f32 $1.000000000e+01, v5;
	v6 =	vld [tilespmem:s29+$0x40];
	[tilespmem:s28+$0xB0] =	vst v0  }
0x4c: {  	v0 =	vld [tilespmem:s29+$0xC0];
	[tilespmem:s28+$0x130] =	vst v4;
	v2 =	vmul.f32 $1.000000000e+01, v2  }
0x4d: {  	[tilespmem:s28+$0xFFFFFE30] =	vst v5;
	v3 =	vmul.f32 $1.000000000e+01, v3;
	v4 =	vld [tilespmem:s29+$0x140]  }
0x4e: {  	v5 =	vld [tilespmem:s29+$0xFFFFFE40];
	v7 =	vmul.f32 $1.000000000e+01, v7;
	[tilespmem:s28+$0x1C0] =	vst v2  }
0x4f: {  	[tilespmem:s28+$0xFFFFFEC0] =	vst v3;
	v1 =	vmul.f32 $1.000000000e+01, v1;
	v2 =	vld [tilespmem:s29+$0x1D0]  }
0x50: {  	[tilespmem:s28+$0xFFFFFF40] =	vst v7;
	v6 =	vmul.f32 $1.000000000e+01, v6;
	v3 =	vld [tilespmem:s29+$0xFFFFFED0]  }
0x51: {  	v7 =	vld [tilespmem:s29+$0xFFFFFF50];
	[tilespmem:s28+$0xFFFFFFC0] =	vst v1;
	v0 =	vmul.f32 $1.000000000e+01, v0  }
0x52: {  	[tilespmem:s28+$0x40] =	vst v6;
	v1 =	vld [tilespmem:s29+$0xFFFFFFD0];
	v4 =	vmul.f32 $1.000000000e+01, v4  }
0x53: {  	v5 =	vmul.f32 $1.000000000e+01, v5;
	v6 =	vld [tilespmem:s29+$0x50];
	[tilespmem:s28+$0xC0] =	vst v0  }
0x54: {  	v0 =	vld [tilespmem:s29+$0xD0];
	[tilespmem:s28+$0x140] =	vst v4;
	v2 =	vmul.f32 $1.000000000e+01, v2  }
0x55: {  	[tilespmem:s28+$0xFFFFFE40] =	vst v5;
	v3 =	vmul.f32 $1.000000000e+01, v3;
	v4 =	vld [tilespmem:s29+$0x150]  }
0x56: {  	v5 =	vld [tilespmem:s29+$0xFFFFFE50];
	v7 =	vmul.f32 $1.000000000e+01, v7;
	[tilespmem:s28+$0x1D0] =	vst v2  }
0x57: {  	[tilespmem:s28+$0xFFFFFED0] =	vst v3;
	v1 =	vmul.f32 $1.000000000e+01, v1;
	v2 =	vld [tilespmem:s29+$0x1E0]  }
0x58: {  	[tilespmem:s28+$0xFFFFFF50] =	vst v7;
	v6 =	vmul.f32 $1.000000000e+01, v6;
	v3 =	vld [tilespmem:s29+$0xFFFFFEE0]  }
0x59: {  	v7 =	vld [tilespmem:s29+$0xFFFFFF60];
	[tilespmem:s28+$0xFFFFFFD0] =	vst v1;
	v0 =	vmul.f32 $1.000000000e+01, v0  }
0x5a: {  	[tilespmem:s28+$0x50] =	vst v6;
	v1 =	vld [tilespmem:s29+$0xFFFFFFE0];
	v4 =	vmul.f32 $1.000000000e+01, v4  }
0x5b: {  	v5 =	vmul.f32 $1.000000000e+01, v5;
	v6 =	vld [tilespmem:s29+$0x60];
	[tilespmem:s28+$0xD0] =	vst v0  }
0x5c: {  	v0 =	vld [tilespmem:s29+$0xE0];
	[tilespmem:s28+$0x150] =	vst v4;
	v2 =	vmul.f32 $1.000000000e+01, v2  }
0x5d: {  	[tilespmem:s28+$0xFFFFFE50] =	vst v5;
	v3 =	vmul.f32 $1.000000000e+01, v3;
	v4 =	vld [tilespmem:s29+$0x160]  }
0x5e: {  	v5 =	vld [tilespmem:s29+$0xFFFFFE60];
	v7 =	vmul.f32 $1.000000000e+01, v7;
	[tilespmem:s28+$0x1E0] =	vst v2  }
0x5f: {  	[tilespmem:s28+$0xFFFFFEE0] =	vst v3;
	v1 =	vmul.f32 $1.000000000e+01, v1;
	v3 =	vld [tilespmem:s29+$0x1F0]  }
0x60: {  	[tilespmem:s28+$0xFFFFFF60] =	vst v7;
	v2 =	vmul.f32 $1.000000000e+01, v6;
	v8 =	vld [tilespmem:s29+$0xFFFFFEF0]  }
0x61: {  	v7 =	vld [tilespmem:s29+$0xFFFFFF70];
	[tilespmem:s28+$0xFFFFFFE0] =	vst v1;
	v1 =	vmul.f32 $1.000000000e+01, v0  }
0x62: {  	[tilespmem:s28+$0x60] =	vst v2;
	v0 =	vld [tilespmem:s29+$0xFFFFFFF0];
	v4 =	vmul.f32 $1.000000000e+01, v4  }
0x63: {  	v5 =	vmul.f32 $1.000000000e+01, v5;
	v2 =	vld [tilespmem:s29+$0x70];
	[tilespmem:s28+$0xE0] =	vst v1  }
0x64: {  	v1 =	vld [tilespmem:s29+$0xF0];
	[tilespmem:s28+$0x160] =	vst v4;
	v9 =	vmul.f32 $1.000000000e+01, v3  }
0x65: {  	[tilespmem:s28+$0xFFFFFE60] =	vst v5;
	v3 =	vld [tilespmem:s29+$0x170];
	v6 =	vmul.f32 $1.000000000e+01, v8  }
0x66: {  	s25 =	simm.s32 $0x0;
	v4 =	vld [tilespmem:s29+$0xFFFFFE70];
	v5 =	vmul.f32 $1.000000000e+01, v7;
	s29 =	simm.s32 $0x1F00;
	[tilespmem:s28+$0x1F0] =	vst v9  }
.LBB2_3:
0x67: {  	v7 =	vld [tilespmem:s29+$0x180];
	s25 =	sadd.s32 $0x8, s25;
	[tilespmem:s28+$0xFFFFFEF0] =	vst v6;
	v0 =	vmul.f32 $1.000000000e+01, v0  }
0x68: {  	v6 =	vld [tilespmem:s29+$0xFFFFFE80];
	p2 =	slt.u32 s25, $0x78;
	[tilespmem:s28+$0xFFFFFF70] =	vst v5;
	v2 =	vmul.f32 $1.000000000e+01, v2  }
0x69: {  	v5 =	vld [tilespmem:s29+$0xFFFFFF00];
	[tilespmem:s28+$0xFFFFFFF0] =	vst v0;
	v0 =	vmul.f32 $1.000000000e+01, v1  }
0x6a: {  	v1 =	vld [tilespmem:s29+$0xFFFFFF80];
	[tilespmem:s28+$0x70] =	vst v2;
	v2 =	vmul.f32 $1.000000000e+01, v3  }
0x6b: {  	v3 =	vld [tilespmem:s29+$0x0];
	v4 =	vmul.f32 $1.000000000e+01, v4;
	[tilespmem:s28+$0xF0] =	vst v0  }
0x6c: {  	v0 =	vld [tilespmem:s29+$0x80];
	v7 =	vmul.f32 $1.000000000e+01, v7;
	[tilespmem:s28+$0x170] =	vst v2  }
0x6d: {  	v2 =	vmul.f32 $1.000000000e+01, v6;
	v6 =	vld [tilespmem:s29+$0x100];
	[tilespmem:s28+$0xFFFFFE70] =	vst v4;
	s28 =	sadd.s32 $0x400, s28  }
0x6e: {  	v4 =	vld [tilespmem:s29+$0xFFFFFE00];
	v5 =	vmul.f32 $1.000000000e+01, v5;
	[tilespmem:s28+$0x180] =	vst v7  }
0x6f: {  	[tilespmem:s28+$0xFFFFFE80] =	vst v2;
	v1 =	vmul.f32 $1.000000000e+01, v1;
	v2 =	vld [tilespmem:s29+$0x190]  }
0x70: {  	v7 =	vld [tilespmem:s29+$0xFFFFFE90];
	[tilespmem:s28+$0xFFFFFF00] =	vst v5;
	v3 =	vmul.f32 $1.000000000e+01, v3  }
0x71: {  	v5 =	vld [tilespmem:s29+$0xFFFFFF10];
	[tilespmem:s28+$0xFFFFFF80] =	vst v1;
	v0 =	vmul.f32 $1.000000000e+01, v0  }
0x72: {  	v1 =	vld [tilespmem:s29+$0xFFFFFF90];
	[tilespmem:s28+$0x0] =	vst v3;
	v3 =	vmul.f32 $1.000000000e+01, v6  }
0x73: {  	v4 =	vmul.f32 $1.000000000e+01, v4;
	v6 =	vld [tilespmem:s29+$0x10];
	[tilespmem:s28+$0x80] =	vst v0  }
0x74: {  	v0 =	vld [tilespmem:s29+$0x90];
	[tilespmem:s28+$0x100] =	vst v3;
	v2 =	vmul.f32 $1.000000000e+01, v2  }
0x75: {  	[tilespmem:s28+$0xFFFFFE00] =	vst v4;
	v3 =	vmul.f32 $1.000000000e+01, v7;
	v4 =	vld [tilespmem:s29+$0x110]  }
0x76: {  	v7 =	vld [tilespmem:s29+$0xFFFFFE10];
	v5 =	vmul.f32 $1.000000000e+01, v5;
	[tilespmem:s28+$0x190] =	vst v2  }
0x77: {  	[tilespmem:s28+$0xFFFFFE90] =	vst v3;
	v1 =	vmul.f32 $1.000000000e+01, v1;
	v2 =	vld [tilespmem:s29+$0x1A0]  }
0x78: {  	v3 =	vld [tilespmem:s29+$0xFFFFFEA0];
	[tilespmem:s28+$0xFFFFFF10] =	vst v5;
	v5 =	vmul.f32 $1.000000000e+01, v6  }
0x79: {  	v6 =	vld [tilespmem:s29+$0xFFFFFF20];
	[tilespmem:s28+$0xFFFFFF90] =	vst v1;
	v0 =	vmul.f32 $1.000000000e+01, v0  }
0x7a: {  	v1 =	vld [tilespmem:s29+$0xFFFFFFA0];
	[tilespmem:s28+$0x10] =	vst v5;
	v4 =	vmul.f32 $1.000000000e+01, v4  }
0x7b: {  	v5 =	vmul.f32 $1.000000000e+01, v7;
	v7 =	vld [tilespmem:s29+$0x20];
	[tilespmem:s28+$0x90] =	vst v0  }
0x7c: {  	v0 =	vld [tilespmem:s29+$0xA0];
	[tilespmem:s28+$0x110] =	vst v4;
	v2 =	vmul.f32 $1.000000000e+01, v2  }
0x7d: {  	[tilespmem:s28+$0xFFFFFE10] =	vst v5;
	v3 =	vmul.f32 $1.000000000e+01, v3;
	v4 =	vld [tilespmem:s29+$0x120]  }
0x7e: {  	v5 =	vld [tilespmem:s29+$0xFFFFFE20];
	v6 =	vmul.f32 $1.000000000e+01, v6;
	[tilespmem:s28+$0x1A0] =	vst v2  }
0x7f: {  	[tilespmem:s28+$0xFFFFFEA0] =	vst v3;
	v1 =	vmul.f32 $1.000000000e+01, v1;
	v2 =	vld [tilespmem:s29+$0x1B0]  }
0x80: {  	v3 =	vld [tilespmem:s29+$0xFFFFFEB0];
	[tilespmem:s28+$0xFFFFFF20] =	vst v6;
	v6 =	vmul.f32 $1.000000000e+01, v7  }
0x81: {  	v7 =	vld [tilespmem:s29+$0xFFFFFF30];
	[tilespmem:s28+$0xFFFFFFA0] =	vst v1;
	v0 =	vmul.f32 $1.000000000e+01, v0  }
0x82: {  	v1 =	vld [tilespmem:s29+$0xFFFFFFB0];
	[tilespmem:s28+$0x20] =	vst v6;
	v4 =	vmul.f32 $1.000000000e+01, v4  }
0x83: {  	v5 =	vmul.f32 $1.000000000e+01, v5;
	v6 =	vld [tilespmem:s29+$0x30];
	[tilespmem:s28+$0xA0] =	vst v0  }
0x84: {  	v0 =	vld [tilespmem:s29+$0xB0];
	[tilespmem:s28+$0x120] =	vst v4;
	v2 =	vmul.f32 $1.000000000e+01, v2  }
0x85: {  	[tilespmem:s28+$0xFFFFFE20] =	vst v5;
	v3 =	vmul.f32 $1.000000000e+01, v3;
	v4 =	vld [tilespmem:s29+$0x130]  }
0x86: {  	v5 =	vld [tilespmem:s29+$0xFFFFFE30];
	v7 =	vmul.f32 $1.000000000e+01, v7;
	[tilespmem:s28+$0x1B0] =	vst v2  }
0x87: {  	[tilespmem:s28+$0xFFFFFEB0] =	vst v3;
	v1 =	vmul.f32 $1.000000000e+01, v1;
	v2 =	vld [tilespmem:s29+$0x1C0]  }
0x88: {  	v3 =	vld [tilespmem:s29+$0xFFFFFEC0];
	[tilespmem:s28+$0xFFFFFF30] =	vst v7;
	v6 =	vmul.f32 $1.000000000e+01, v6  }
0x89: {  	v7 =	vld [tilespmem:s29+$0xFFFFFF40];
	[tilespmem:s28+$0xFFFFFFB0] =	vst v1;
	v0 =	vmul.f32 $1.000000000e+01, v0  }
0x8a: {  	v1 =	vld [tilespmem:s29+$0xFFFFFFC0];
	[tilespmem:s28+$0x30] =	vst v6;
	v4 =	vmul.f32 $1.000000000e+01, v4  }
0x8b: {  	v5 =	vmul.f32 $1.000000000e+01, v5;
	v6 =	vld [tilespmem:s29+$0x40];
	[tilespmem:s28+$0xB0] =	vst v0  }
0x8c: {  	v0 =	vld [tilespmem:s29+$0xC0];
	[tilespmem:s28+$0x130] =	vst v4;
	v2 =	vmul.f32 $1.000000000e+01, v2  }
0x8d: {  	[tilespmem:s28+$0xFFFFFE30] =	vst v5;
	v3 =	vmul.f32 $1.000000000e+01, v3;
	v4 =	vld [tilespmem:s29+$0x140]  }
0x8e: {  	v5 =	vld [tilespmem:s29+$0xFFFFFE40];
	v7 =	vmul.f32 $1.000000000e+01, v7;
	[tilespmem:s28+$0x1C0] =	vst v2  }
0x8f: {  	[tilespmem:s28+$0xFFFFFEC0] =	vst v3;
	v1 =	vmul.f32 $1.000000000e+01, v1;
	v2 =	vld [tilespmem:s29+$0x1D0]  }
0x90: {  	v3 =	vld [tilespmem:s29+$0xFFFFFED0];
	[tilespmem:s28+$0xFFFFFF40] =	vst v7;
	v6 =	vmul.f32 $1.000000000e+01, v6  }
0x91: {  	v7 =	vld [tilespmem:s29+$0xFFFFFF50];
	[tilespmem:s28+$0xFFFFFFC0] =	vst v1;
	v0 =	vmul.f32 $1.000000000e+01, v0  }
0x92: {  	v1 =	vld [tilespmem:s29+$0xFFFFFFD0];
	[tilespmem:s28+$0x40] =	vst v6;
	v4 =	vmul.f32 $1.000000000e+01, v4  }
0x93: {  	v5 =	vmul.f32 $1.000000000e+01, v5;
	v6 =	vld [tilespmem:s29+$0x50];
	[tilespmem:s28+$0xC0] =	vst v0  }
0x94: {  	v0 =	vld [tilespmem:s29+$0xD0];
	[tilespmem:s28+$0x140] =	vst v4;
	v2 =	vmul.f32 $1.000000000e+01, v2  }
0x95: {  	[tilespmem:s28+$0xFFFFFE40] =	vst v5;
	v3 =	vmul.f32 $1.000000000e+01, v3;
	v4 =	vld [tilespmem:s29+$0x150]  }
0x96: {  	v5 =	vld [tilespmem:s29+$0xFFFFFE50];
	v7 =	vmul.f32 $1.000000000e+01, v7;
	[tilespmem:s28+$0x1D0] =	vst v2  }
0x97: {  	[tilespmem:s28+$0xFFFFFED0] =	vst v3;
	v1 =	vmul.f32 $1.000000000e+01, v1;
	v2 =	vld [tilespmem:s29+$0x1E0]  }
0x98: {  	v3 =	vld [tilespmem:s29+$0xFFFFFEE0];
	[tilespmem:s28+$0xFFFFFF50] =	vst v7;
	v6 =	vmul.f32 $1.000000000e+01, v6  }
0x99: {  	v7 =	vld [tilespmem:s29+$0xFFFFFF60];
	[tilespmem:s28+$0xFFFFFFD0] =	vst v1;
	v0 =	vmul.f32 $1.000000000e+01, v0  }
0x9a: {  	v1 =	vld [tilespmem:s29+$0xFFFFFFE0];
	[tilespmem:s28+$0x50] =	vst v6;
	v4 =	vmul.f32 $1.000000000e+01, v4  }
0x9b: {  	v5 =	vmul.f32 $1.000000000e+01, v5;
	v6 =	vld [tilespmem:s29+$0x60];
	[tilespmem:s28+$0xD0] =	vst v0  }
0x9c: {  	v0 =	vld [tilespmem:s29+$0xE0];
	[tilespmem:s28+$0x150] =	vst v4;
	v2 =	vmul.f32 $1.000000000e+01, v2  }
0x9d: {  	[tilespmem:s28+$0xFFFFFE50] =	vst v5;
	v3 =	vmul.f32 $1.000000000e+01, v3;
	v4 =	vld [tilespmem:s29+$0x160]  }
0x9e: {  	v5 =	vld [tilespmem:s29+$0xFFFFFE60];
	v7 =	vmul.f32 $1.000000000e+01, v7;
	[tilespmem:s28+$0x1E0] =	vst v2  }
0x9f: {  	[tilespmem:s28+$0xFFFFFEE0] =	vst v3;
	v1 =	vmul.f32 $1.000000000e+01, v1;
	v3 =	vld [tilespmem:s29+$0x1F0]  }
0xa0: {  	v8 =	vld [tilespmem:s29+$0xFFFFFEF0];
	[tilespmem:s28+$0xFFFFFF60] =	vst v7;
	v2 =	vmul.f32 $1.000000000e+01, v6  }
0xa1: {  	v7 =	vld [tilespmem:s29+$0xFFFFFF70];
	[tilespmem:s28+$0xFFFFFFE0] =	vst v1;
	v1 =	vmul.f32 $1.000000000e+01, v0  }
.Ltmp2:
0xa2: {  	v0 =	vld [tilespmem:s29+$0xFFFFFFF0];
	[tilespmem:s28+$0x60] =	vst v2;
	v4 =	vmul.f32 $1.000000000e+01, v4;
	(pc) =	sbr.rel @p2 .LBB2_3-.Ltmp2, $4  }
0xa3: {  	v5 =	vmul.f32 $1.000000000e+01, v5;
	v2 =	vld [tilespmem:s29+$0x70];
	[tilespmem:s28+$0xE0] =	vst v1  }
0xa4: {  	v1 =	vld [tilespmem:s29+$0xF0];
	[tilespmem:s28+$0x160] =	vst v4;
	v9 =	vmul.f32 $1.000000000e+01, v3  }
0xa5: {  	[tilespmem:s28+$0xFFFFFE60] =	vst v5;
	v6 =	vmul.f32 $1.000000000e+01, v8;
	v3 =	vld [tilespmem:s29+$0x170]  }
0xa6: {  	v4 =	vld [tilespmem:s29+$0xFFFFFE70];
	v5 =	vmul.f32 $1.000000000e+01, v7;
	[tilespmem:s28+$0x1F0] =	vst v9;
	s29 =	sadd.s32 $0x400, s29  }
0xa7: {  	[tilespmem:s28+$0xFFFFFEF0] =	vst v6;
	v0 =	vmul.f32 $1.000000000e+01, v0  }
0xa8: {  	[tilespmem:s28+$0xFFFFFF70] =	vst v5;
	v2 =	vmul.f32 $1.000000000e+01, v2  }
0xa9: {  	s25 =	smul.u32 $0x180, s24;
	[tilespmem:s28+$0xFFFFFFF0] =	vst v0;
	v0 =	vmul.f32 $1.000000000e+01, v1  }
0xaa: {  	[tilespmem:s28+$0x70] =	vst v2;
	v1 =	vmul.f32 $1.000000000e+01, v3  }
0xab: {  	s29 =	sadd.s32 s4, s25;
	v2 =	vmul.f32 $1.000000000e+01, v4;
	[tilespmem:s28+$0xF0] =	vst v0  }
0xac: {  	s29 =	sshll.u32 s29, $0x4;
	[tilespmem:s28+$0x170] =	vst v1  }
0xad: {  	[tilespmem:s28+$0xFFFFFE70] =	vst v2;
	s28 =	sadd.s32 s3, s29  }
0xae: {  	[hbm4b:s28+s5] =	stream.linear.scatter [tilespmem:s15], [sflag:$0x4], $0x4000, $0x38;
	[tilespmem:$0x19900] =	vst v63  }
0xaf: {  	_ =	swait.ge [sflag:s16], $0x4000  }
0xb0: {  	s26 =	sadd.s32 @!p0 $0x180, s26;
	[sflag:s16] =	ssyncset.done $0x0  }
0xb1: {  	s29 =	simm.s32 @!p0 $0x1900;
	s28 =	simm.s32 @!p0 $0x80;
	[sflag:s16] =	ssyncadd.s32 $0xFFFFC000  }
0xb2: {  	[tilespmem:s29], [sflag:$0x1] =	stream.indirect.gather @!p0 [hbm4b:s1+s28], $0x80, s26, s28, $0xb8;
	[tilespmem:$0x19900] =	vst v63  }
0xb3: {  	_ =	swait.ge @p1 [sflag:s20], $0x4000  }
0xb4: {  	[sflag:s20] =	ssyncset.done @p1 $0x0  }
0xb5: {  	s29 =	simm.s32 $0x5B00;
	[sflag:s20] =	ssyncadd.s32 @p1 $0xFFFFC000  }
0xb6: {  	v0 =	vld [tilespmem:s29+$0x180]  }
0xb7: {  	v1 =	vld [tilespmem:s29+$0xFFFFFE80]  }
0xb8: {  	v2 =	vld [tilespmem:s29+$0xFFFFFF00]  }
0xb9: {  	v3 =	vld [tilespmem:s29+$0xFFFFFF80]  }
0xba: {  	v4 =	vld [tilespmem:s29+$0x0]  }
0xbb: {  	v5 =	vld [tilespmem:s29+$0x80];
	v0 =	vmul.f32 $1.000000000e+01, v0  }
0xbc: {  	s26 =	simm.s32 $0x11B00;
	v6 =	vld [tilespmem:s29+$0x100];
	v1 =	vmul.f32 $1.000000000e+01, v1  }
0xbd: {  	v7 =	vld [tilespmem:s29+$0xFFFFFE00];
	v2 =	vmul.f32 $1.000000000e+01, v2;
	[tilespmem:s26+$0x180] =	vst v0  }
0xbe: {  	[tilespmem:s26+$0xFFFFFE80] =	vst v1;
	v0 =	vmul.f32 $1.000000000e+01, v3;
	v1 =	vld [tilespmem:s29+$0x190]  }
0xbf: {  	[tilespmem:s26+$0xFFFFFF00] =	vst v2;
	v2 =	vmul.f32 $1.000000000e+01, v4;
	v3 =	vld [tilespmem:s29+$0xFFFFFE90]  }
0xc0: {  	v4 =	vld [tilespmem:s29+$0xFFFFFF10];
	[tilespmem:s26+$0xFFFFFF80] =	vst v0;
	v0 =	vmul.f32 $1.000000000e+01, v5  }
0xc1: {  	[tilespmem:s26+$0x0] =	vst v2;
	v2 =	vmul.f32 $1.000000000e+01, v6;
	v5 =	vld [tilespmem:s29+$0xFFFFFF90]  }
0xc2: {  	v6 =	vmul.f32 $1.000000000e+01, v7;
	v7 =	vld [tilespmem:s29+$0x10];
	[tilespmem:s26+$0x80] =	vst v0  }
0xc3: {  	[tilespmem:s26+$0x100] =	vst v2;
	v0 =	vld [tilespmem:s29+$0x90];
	v1 =	vmul.f32 $1.000000000e+01, v1  }
0xc4: {  	[tilespmem:s26+$0xFFFFFE00] =	vst v6;
	v2 =	vmul.f32 $1.000000000e+01, v3;
	v3 =	vld [tilespmem:s29+$0x110]  }
0xc5: {  	v6 =	vld [tilespmem:s29+$0xFFFFFE10];
	v4 =	vmul.f32 $1.000000000e+01, v4;
	[tilespmem:s26+$0x190] =	vst v1  }
0xc6: {  	[tilespmem:s26+$0xFFFFFE90] =	vst v2;
	v1 =	vmul.f32 $1.000000000e+01, v5;
	v2 =	vld [tilespmem:s29+$0x1A0]  }
0xc7: {  	[tilespmem:s26+$0xFFFFFF10] =	vst v4;
	v4 =	vmul.f32 $1.000000000e+01, v7;
	v5 =	vld [tilespmem:s29+$0xFFFFFEA0]  }
0xc8: {  	v7 =	vld [tilespmem:s29+$0xFFFFFF20];
	[tilespmem:s26+$0xFFFFFF90] =	vst v1;
	v0 =	vmul.f32 $1.000000000e+01, v0  }
0xc9: {  	[tilespmem:s26+$0x10] =	vst v4;
	v1 =	vld [tilespmem:s29+$0xFFFFFFA0];
	v3 =	vmul.f32 $1.000000000e+01, v3  }
0xca: {  	v4 =	vmul.f32 $1.000000000e+01, v6;
	v6 =	vld [tilespmem:s29+$0x20];
	[tilespmem:s26+$0x90] =	vst v0  }
0xcb: {  	v0 =	vld [tilespmem:s29+$0xA0];
	[tilespmem:s26+$0x110] =	vst v3;
	v2 =	vmul.f32 $1.000000000e+01, v2  }
0xcc: {  	[tilespmem:s26+$0xFFFFFE10] =	vst v4;
	v3 =	vmul.f32 $1.000000000e+01, v5;
	v4 =	vld [tilespmem:s29+$0x120]  }
0xcd: {  	v5 =	vld [tilespmem:s29+$0xFFFFFE20];
	v7 =	vmul.f32 $1.000000000e+01, v7;
	[tilespmem:s26+$0x1A0] =	vst v2  }
0xce: {  	[tilespmem:s26+$0xFFFFFEA0] =	vst v3;
	v1 =	vmul.f32 $1.000000000e+01, v1;
	v2 =	vld [tilespmem:s29+$0x1B0]  }
0xcf: {  	[tilespmem:s26+$0xFFFFFF20] =	vst v7;
	v6 =	vmul.f32 $1.000000000e+01, v6;
	v3 =	vld [tilespmem:s29+$0xFFFFFEB0]  }
0xd0: {  	v7 =	vld [tilespmem:s29+$0xFFFFFF30];
	[tilespmem:s26+$0xFFFFFFA0] =	vst v1;
	v0 =	vmul.f32 $1.000000000e+01, v0  }
0xd1: {  	[tilespmem:s26+$0x20] =	vst v6;
	v1 =	vld [tilespmem:s29+$0xFFFFFFB0];
	v4 =	vmul.f32 $1.000000000e+01, v4  }
0xd2: {  	v5 =	vmul.f32 $1.000000000e+01, v5;
	v6 =	vld [tilespmem:s29+$0x30];
	[tilespmem:s26+$0xA0] =	vst v0  }
0xd3: {  	v0 =	vld [tilespmem:s29+$0xB0];
	[tilespmem:s26+$0x120] =	vst v4;
	v2 =	vmul.f32 $1.000000000e+01, v2  }
0xd4: {  	[tilespmem:s26+$0xFFFFFE20] =	vst v5;
	v3 =	vmul.f32 $1.000000000e+01, v3;
	v4 =	vld [tilespmem:s29+$0x130]  }
0xd5: {  	v5 =	vld [tilespmem:s29+$0xFFFFFE30];
	v7 =	vmul.f32 $1.000000000e+01, v7;
	[tilespmem:s26+$0x1B0] =	vst v2  }
0xd6: {  	[tilespmem:s26+$0xFFFFFEB0] =	vst v3;
	v1 =	vmul.f32 $1.000000000e+01, v1;
	v2 =	vld [tilespmem:s29+$0x1C0]  }
0xd7: {  	[tilespmem:s26+$0xFFFFFF30] =	vst v7;
	v6 =	vmul.f32 $1.000000000e+01, v6;
	v3 =	vld [tilespmem:s29+$0xFFFFFEC0]  }
0xd8: {  	v7 =	vld [tilespmem:s29+$0xFFFFFF40];
	[tilespmem:s26+$0xFFFFFFB0] =	vst v1;
	v0 =	vmul.f32 $1.000000000e+01, v0  }
0xd9: {  	[tilespmem:s26+$0x30] =	vst v6;
	v1 =	vld [tilespmem:s29+$0xFFFFFFC0];
	v4 =	vmul.f32 $1.000000000e+01, v4  }
0xda: {  	v5 =	vmul.f32 $1.000000000e+01, v5;
	v6 =	vld [tilespmem:s29+$0x40];
	[tilespmem:s26+$0xB0] =	vst v0  }
0xdb: {  	v0 =	vld [tilespmem:s29+$0xC0];
	[tilespmem:s26+$0x130] =	vst v4;
	v2 =	vmul.f32 $1.000000000e+01, v2  }
0xdc: {  	[tilespmem:s26+$0xFFFFFE30] =	vst v5;
	v3 =	vmul.f32 $1.000000000e+01, v3;
	v4 =	vld [tilespmem:s29+$0x140]  }
0xdd: {  	v5 =	vld [tilespmem:s29+$0xFFFFFE40];
	v7 =	vmul.f32 $1.000000000e+01, v7;
	[tilespmem:s26+$0x1C0] =	vst v2  }
0xde: {  	[tilespmem:s26+$0xFFFFFEC0] =	vst v3;
	v1 =	vmul.f32 $1.000000000e+01, v1;
	v2 =	vld [tilespmem:s29+$0x1D0]  }
0xdf: {  	[tilespmem:s26+$0xFFFFFF40] =	vst v7;
	v6 =	vmul.f32 $1.000000000e+01, v6;
	v3 =	vld [tilespmem:s29+$0xFFFFFED0]  }
0xe0: {  	v7 =	vld [tilespmem:s29+$0xFFFFFF50];
	[tilespmem:s26+$0xFFFFFFC0] =	vst v1;
	v0 =	vmul.f32 $1.000000000e+01, v0  }
0xe1: {  	[tilespmem:s26+$0x40] =	vst v6;
	v1 =	vld [tilespmem:s29+$0xFFFFFFD0];
	v4 =	vmul.f32 $1.000000000e+01, v4  }
0xe2: {  	v5 =	vmul.f32 $1.000000000e+01, v5;
	v6 =	vld [tilespmem:s29+$0x50];
	[tilespmem:s26+$0xC0] =	vst v0  }
0xe3: {  	v0 =	vld [tilespmem:s29+$0xD0];
	[tilespmem:s26+$0x140] =	vst v4;
	v2 =	vmul.f32 $1.000000000e+01, v2  }
0xe4: {  	[tilespmem:s26+$0xFFFFFE40] =	vst v5;
	v3 =	vmul.f32 $1.000000000e+01, v3;
	v4 =	vld [tilespmem:s29+$0x150]  }
0xe5: {  	v5 =	vld [tilespmem:s29+$0xFFFFFE50];
	v7 =	vmul.f32 $1.000000000e+01, v7;
	[tilespmem:s26+$0x1D0] =	vst v2  }
0xe6: {  	[tilespmem:s26+$0xFFFFFED0] =	vst v3;
	v1 =	vmul.f32 $1.000000000e+01, v1;
	v2 =	vld [tilespmem:s29+$0x1E0]  }
0xe7: {  	[tilespmem:s26+$0xFFFFFF50] =	vst v7;
	v6 =	vmul.f32 $1.000000000e+01, v6;
	v3 =	vld [tilespmem:s29+$0xFFFFFEE0]  }
0xe8: {  	v7 =	vld [tilespmem:s29+$0xFFFFFF60];
	[tilespmem:s26+$0xFFFFFFD0] =	vst v1;
	v0 =	vmul.f32 $1.000000000e+01, v0  }
0xe9: {  	[tilespmem:s26+$0x50] =	vst v6;
	v1 =	vld [tilespmem:s29+$0xFFFFFFE0];
	v4 =	vmul.f32 $1.000000000e+01, v4  }
0xea: {  	v5 =	vmul.f32 $1.000000000e+01, v5;
	v6 =	vld [tilespmem:s29+$0x60];
	[tilespmem:s26+$0xD0] =	vst v0  }
0xeb: {  	v0 =	vld [tilespmem:s29+$0xE0];
	[tilespmem:s26+$0x150] =	vst v4;
	v2 =	vmul.f32 $1.000000000e+01, v2  }
0xec: {  	[tilespmem:s26+$0xFFFFFE50] =	vst v5;
	v3 =	vmul.f32 $1.000000000e+01, v3;
	v4 =	vld [tilespmem:s29+$0x160]  }
0xed: {  	v5 =	vld [tilespmem:s29+$0xFFFFFE60];
	v7 =	vmul.f32 $1.000000000e+01, v7;
	[tilespmem:s26+$0x1E0] =	vst v2  }
0xee: {  	[tilespmem:s26+$0xFFFFFEE0] =	vst v3;
	v1 =	vmul.f32 $1.000000000e+01, v1;
	v3 =	vld [tilespmem:s29+$0x1F0]  }
0xef: {  	[tilespmem:s26+$0xFFFFFF60] =	vst v7;
	v2 =	vmul.f32 $1.000000000e+01, v6;
	v8 =	vld [tilespmem:s29+$0xFFFFFEF0]  }
0xf0: {  	v7 =	vld [tilespmem:s29+$0xFFFFFF70];
	[tilespmem:s26+$0xFFFFFFE0] =	vst v1;
	v1 =	vmul.f32 $1.000000000e+01, v0  }
0xf1: {  	[tilespmem:s26+$0x60] =	vst v2;
	v0 =	vld [tilespmem:s29+$0xFFFFFFF0];
	v4 =	vmul.f32 $1.000000000e+01, v4  }
0xf2: {  	v5 =	vmul.f32 $1.000000000e+01, v5;
	v2 =	vld [tilespmem:s29+$0x70];
	[tilespmem:s26+$0xE0] =	vst v1  }
0xf3: {  	v1 =	vld [tilespmem:s29+$0xF0];
	[tilespmem:s26+$0x160] =	vst v4;
	v9 =	vmul.f32 $1.000000000e+01, v3  }
0xf4: {  	[tilespmem:s26+$0xFFFFFE60] =	vst v5;
	v3 =	vld [tilespmem:s29+$0x170];
	v6 =	vmul.f32 $1.000000000e+01, v8  }
0xf5: {  	s28 =	simm.s32 $0x0;
	v4 =	vld [tilespmem:s29+$0xFFFFFE70];
	v5 =	vmul.f32 $1.000000000e+01, v7;
	s29 =	simm.s32 $0x5F00;
	[tilespmem:s26+$0x1F0] =	vst v9  }
.LBB2_5:
0xf6: {  	v7 =	vld [tilespmem:s29+$0x180];
	s28 =	sadd.s32 $0x8, s28;
	[tilespmem:s26+$0xFFFFFEF0] =	vst v6;
	v0 =	vmul.f32 $1.000000000e+01, v0  }
0xf7: {  	v6 =	vld [tilespmem:s29+$0xFFFFFE80];
	p1 =	slt.u32 s28, $0x78;
	[tilespmem:s26+$0xFFFFFF70] =	vst v5;
	v2 =	vmul.f32 $1.000000000e+01, v2  }
0xf8: {  	v5 =	vld [tilespmem:s29+$0xFFFFFF00];
	[tilespmem:s26+$0xFFFFFFF0] =	vst v0;
	v0 =	vmul.f32 $1.000000000e+01, v1  }
0xf9: {  	v1 =	vld [tilespmem:s29+$0xFFFFFF80];
	[tilespmem:s26+$0x70] =	vst v2;
	v2 =	vmul.f32 $1.000000000e+01, v3  }
0xfa: {  	v3 =	vld [tilespmem:s29+$0x0];
	v4 =	vmul.f32 $1.000000000e+01, v4;
	[tilespmem:s26+$0xF0] =	vst v0  }
0xfb: {  	v0 =	vld [tilespmem:s29+$0x80];
	v7 =	vmul.f32 $1.000000000e+01, v7;
	[tilespmem:s26+$0x170] =	vst v2  }
0xfc: {  	v2 =	vmul.f32 $1.000000000e+01, v6;
	v6 =	vld [tilespmem:s29+$0x100];
	[tilespmem:s26+$0xFFFFFE70] =	vst v4;
	s26 =	sadd.s32 $0x400, s26  }
0xfd: {  	v4 =	vld [tilespmem:s29+$0xFFFFFE00];
	v5 =	vmul.f32 $1.000000000e+01, v5;
	[tilespmem:s26+$0x180] =	vst v7  }
0xfe: {  	[tilespmem:s26+$0xFFFFFE80] =	vst v2;
	v1 =	vmul.f32 $1.000000000e+01, v1;
	v2 =	vld [tilespmem:s29+$0x190]  }
0xff: {  	v7 =	vld [tilespmem:s29+$0xFFFFFE90];
	[tilespmem:s26+$0xFFFFFF00] =	vst v5;
	v3 =	vmul.f32 $1.000000000e+01, v3  }
0x100: {  	v5 =	vld [tilespmem:s29+$0xFFFFFF10];
	[tilespmem:s26+$0xFFFFFF80] =	vst v1;
	v0 =	vmul.f32 $1.000000000e+01, v0  }
0x101: {  	v1 =	vld [tilespmem:s29+$0xFFFFFF90];
	[tilespmem:s26+$0x0] =	vst v3;
	v3 =	vmul.f32 $1.000000000e+01, v6  }
0x102: {  	v4 =	vmul.f32 $1.000000000e+01, v4;
	v6 =	vld [tilespmem:s29+$0x10];
	[tilespmem:s26+$0x80] =	vst v0  }
0x103: {  	v0 =	vld [tilespmem:s29+$0x90];
	[tilespmem:s26+$0x100] =	vst v3;
	v2 =	vmul.f32 $1.000000000e+01, v2  }
0x104: {  	[tilespmem:s26+$0xFFFFFE00] =	vst v4;
	v3 =	vmul.f32 $1.000000000e+01, v7;
	v4 =	vld [tilespmem:s29+$0x110]  }
0x105: {  	v7 =	vld [tilespmem:s29+$0xFFFFFE10];
	v5 =	vmul.f32 $1.000000000e+01, v5;
	[tilespmem:s26+$0x190] =	vst v2  }
0x106: {  	[tilespmem:s26+$0xFFFFFE90] =	vst v3;
	v1 =	vmul.f32 $1.000000000e+01, v1;
	v2 =	vld [tilespmem:s29+$0x1A0]  }
0x107: {  	v3 =	vld [tilespmem:s29+$0xFFFFFEA0];
	[tilespmem:s26+$0xFFFFFF10] =	vst v5;
	v5 =	vmul.f32 $1.000000000e+01, v6  }
0x108: {  	v6 =	vld [tilespmem:s29+$0xFFFFFF20];
	[tilespmem:s26+$0xFFFFFF90] =	vst v1;
	v0 =	vmul.f32 $1.000000000e+01, v0  }
0x109: {  	v1 =	vld [tilespmem:s29+$0xFFFFFFA0];
	[tilespmem:s26+$0x10] =	vst v5;
	v4 =	vmul.f32 $1.000000000e+01, v4  }
0x10a: {  	v5 =	vmul.f32 $1.000000000e+01, v7;
	v7 =	vld [tilespmem:s29+$0x20];
	[tilespmem:s26+$0x90] =	vst v0  }
0x10b: {  	v0 =	vld [tilespmem:s29+$0xA0];
	[tilespmem:s26+$0x110] =	vst v4;
	v2 =	vmul.f32 $1.000000000e+01, v2  }
0x10c: {  	[tilespmem:s26+$0xFFFFFE10] =	vst v5;
	v3 =	vmul.f32 $1.000000000e+01, v3;
	v4 =	vld [tilespmem:s29+$0x120]  }
0x10d: {  	v5 =	vld [tilespmem:s29+$0xFFFFFE20];
	v6 =	vmul.f32 $1.000000000e+01, v6;
	[tilespmem:s26+$0x1A0] =	vst v2  }
0x10e: {  	[tilespmem:s26+$0xFFFFFEA0] =	vst v3;
	v1 =	vmul.f32 $1.000000000e+01, v1;
	v2 =	vld [tilespmem:s29+$0x1B0]  }
0x10f: {  	v3 =	vld [tilespmem:s29+$0xFFFFFEB0];
	[tilespmem:s26+$0xFFFFFF20] =	vst v6;
	v6 =	vmul.f32 $1.000000000e+01, v7  }
0x110: {  	v7 =	vld [tilespmem:s29+$0xFFFFFF30];
	[tilespmem:s26+$0xFFFFFFA0] =	vst v1;
	v0 =	vmul.f32 $1.000000000e+01, v0  }
0x111: {  	v1 =	vld [tilespmem:s29+$0xFFFFFFB0];
	[tilespmem:s26+$0x20] =	vst v6;
	v4 =	vmul.f32 $1.000000000e+01, v4  }
0x112: {  	v5 =	vmul.f32 $1.000000000e+01, v5;
	v6 =	vld [tilespmem:s29+$0x30];
	[tilespmem:s26+$0xA0] =	vst v0  }
0x113: {  	v0 =	vld [tilespmem:s29+$0xB0];
	[tilespmem:s26+$0x120] =	vst v4;
	v2 =	vmul.f32 $1.000000000e+01, v2  }
0x114: {  	[tilespmem:s26+$0xFFFFFE20] =	vst v5;
	v3 =	vmul.f32 $1.000000000e+01, v3;
	v4 =	vld [tilespmem:s29+$0x130]  }
0x115: {  	v5 =	vld [tilespmem:s29+$0xFFFFFE30];
	v7 =	vmul.f32 $1.000000000e+01, v7;
	[tilespmem:s26+$0x1B0] =	vst v2  }
0x116: {  	[tilespmem:s26+$0xFFFFFEB0] =	vst v3;
	v1 =	vmul.f32 $1.000000000e+01, v1;
	v2 =	vld [tilespmem:s29+$0x1C0]  }
0x117: {  	v3 =	vld [tilespmem:s29+$0xFFFFFEC0];
	[tilespmem:s26+$0xFFFFFF30] =	vst v7;
	v6 =	vmul.f32 $1.000000000e+01, v6  }
0x118: {  	v7 =	vld [tilespmem:s29+$0xFFFFFF40];
	[tilespmem:s26+$0xFFFFFFB0] =	vst v1;
	v0 =	vmul.f32 $1.000000000e+01, v0  }
0x119: {  	v1 =	vld [tilespmem:s29+$0xFFFFFFC0];
	[tilespmem:s26+$0x30] =	vst v6;
	v4 =	vmul.f32 $1.000000000e+01, v4  }
0x11a: {  	v5 =	vmul.f32 $1.000000000e+01, v5;
	v6 =	vld [tilespmem:s29+$0x40];
	[tilespmem:s26+$0xB0] =	vst v0  }
0x11b: {  	v0 =	vld [tilespmem:s29+$0xC0];
	[tilespmem:s26+$0x130] =	vst v4;
	v2 =	vmul.f32 $1.000000000e+01, v2  }
0x11c: {  	[tilespmem:s26+$0xFFFFFE30] =	vst v5;
	v3 =	vmul.f32 $1.000000000e+01, v3;
	v4 =	vld [tilespmem:s29+$0x140]  }
0x11d: {  	v5 =	vld [tilespmem:s29+$0xFFFFFE40];
	v7 =	vmul.f32 $1.000000000e+01, v7;
	[tilespmem:s26+$0x1C0] =	vst v2  }
0x11e: {  	[tilespmem:s26+$0xFFFFFEC0] =	vst v3;
	v1 =	vmul.f32 $1.000000000e+01, v1;
	v2 =	vld [tilespmem:s29+$0x1D0]  }
0x11f: {  	v3 =	vld [tilespmem:s29+$0xFFFFFED0];
	[tilespmem:s26+$0xFFFFFF40] =	vst v7;
	v6 =	vmul.f32 $1.000000000e+01, v6  }
0x120: {  	v7 =	vld [tilespmem:s29+$0xFFFFFF50];
	[tilespmem:s26+$0xFFFFFFC0] =	vst v1;
	v0 =	vmul.f32 $1.000000000e+01, v0  }
0x121: {  	v1 =	vld [tilespmem:s29+$0xFFFFFFD0];
	[tilespmem:s26+$0x40] =	vst v6;
	v4 =	vmul.f32 $1.000000000e+01, v4  }
0x122: {  	v5 =	vmul.f32 $1.000000000e+01, v5;
	v6 =	vld [tilespmem:s29+$0x50];
	[tilespmem:s26+$0xC0] =	vst v0  }
0x123: {  	v0 =	vld [tilespmem:s29+$0xD0];
	[tilespmem:s26+$0x140] =	vst v4;
	v2 =	vmul.f32 $1.000000000e+01, v2  }
0x124: {  	[tilespmem:s26+$0xFFFFFE40] =	vst v5;
	v3 =	vmul.f32 $1.000000000e+01, v3;
	v4 =	vld [tilespmem:s29+$0x150]  }
0x125: {  	v5 =	vld [tilespmem:s29+$0xFFFFFE50];
	v7 =	vmul.f32 $1.000000000e+01, v7;
	[tilespmem:s26+$0x1D0] =	vst v2  }
0x126: {  	[tilespmem:s26+$0xFFFFFED0] =	vst v3;
	v1 =	vmul.f32 $1.000000000e+01, v1;
	v2 =	vld [tilespmem:s29+$0x1E0]  }
0x127: {  	v3 =	vld [tilespmem:s29+$0xFFFFFEE0];
	[tilespmem:s26+$0xFFFFFF50] =	vst v7;
	v6 =	vmul.f32 $1.000000000e+01, v6  }
0x128: {  	v7 =	vld [tilespmem:s29+$0xFFFFFF60];
	[tilespmem:s26+$0xFFFFFFD0] =	vst v1;
	v0 =	vmul.f32 $1.000000000e+01, v0  }
0x129: {  	v1 =	vld [tilespmem:s29+$0xFFFFFFE0];
	[tilespmem:s26+$0x50] =	vst v6;
	v4 =	vmul.f32 $1.000000000e+01, v4  }
0x12a: {  	v5 =	vmul.f32 $1.000000000e+01, v5;
	v6 =	vld [tilespmem:s29+$0x60];
	[tilespmem:s26+$0xD0] =	vst v0  }
0x12b: {  	v0 =	vld [tilespmem:s29+$0xE0];
	[tilespmem:s26+$0x150] =	vst v4;
	v2 =	vmul.f32 $1.000000000e+01, v2  }
0x12c: {  	[tilespmem:s26+$0xFFFFFE50] =	vst v5;
	v3 =	vmul.f32 $1.000000000e+01, v3;
	v4 =	vld [tilespmem:s29+$0x160]  }
0x12d: {  	v5 =	vld [tilespmem:s29+$0xFFFFFE60];
	v7 =	vmul.f32 $1.000000000e+01, v7;
	[tilespmem:s26+$0x1E0] =	vst v2  }
0x12e: {  	[tilespmem:s26+$0xFFFFFEE0] =	vst v3;
	v1 =	vmul.f32 $1.000000000e+01, v1;
	v3 =	vld [tilespmem:s29+$0x1F0]  }
0x12f: {  	v8 =	vld [tilespmem:s29+$0xFFFFFEF0];
	[tilespmem:s26+$0xFFFFFF60] =	vst v7;
	v2 =	vmul.f32 $1.000000000e+01, v6  }
0x130: {  	v7 =	vld [tilespmem:s29+$0xFFFFFF70];
	[tilespmem:s26+$0xFFFFFFE0] =	vst v1;
	v1 =	vmul.f32 $1.000000000e+01, v0  }
.Ltmp3:
0x131: {  	v0 =	vld [tilespmem:s29+$0xFFFFFFF0];
	[tilespmem:s26+$0x60] =	vst v2;
	v4 =	vmul.f32 $1.000000000e+01, v4;
	(pc) =	sbr.rel @p1 .LBB2_5-.Ltmp3, $4  }
0x132: {  	v5 =	vmul.f32 $1.000000000e+01, v5;
	v2 =	vld [tilespmem:s29+$0x70];
	[tilespmem:s26+$0xE0] =	vst v1  }
0x133: {  	v1 =	vld [tilespmem:s29+$0xF0];
	[tilespmem:s26+$0x160] =	vst v4;
	v9 =	vmul.f32 $1.000000000e+01, v3  }
0x134: {  	[tilespmem:s26+$0xFFFFFE60] =	vst v5;
	v6 =	vmul.f32 $1.000000000e+01, v8;
	v3 =	vld [tilespmem:s29+$0x170]  }
0x135: {  	v4 =	vld [tilespmem:s29+$0xFFFFFE70];
	v5 =	vmul.f32 $1.000000000e+01, v7;
	[tilespmem:s26+$0x1F0] =	vst v9;
	s29 =	sadd.s32 $0x400, s29  }
0x136: {  	[tilespmem:s26+$0xFFFFFEF0] =	vst v6;
	v0 =	vmul.f32 $1.000000000e+01, v0  }
0x137: {  	[tilespmem:s26+$0xFFFFFF70] =	vst v5;
	v2 =	vmul.f32 $1.000000000e+01, v2  }
0x138: {  	[tilespmem:s26+$0xFFFFFFF0] =	vst v0;
	v61 =	vmul.f32 $1.000000000e+01, v1  }
.Ltmp4:
0x139: {  	s28 =	sadd.s32 s25, s7;
	[tilespmem:s26+$0x70] =	vst v2;
	v62 =	vmul.f32 $1.000000000e+01, v3;
	(pc) =	sbr.rel @p0 .LBB2_10-.Ltmp4, $4  }
0x13a: {  	s28 =	sshll.u32 s28, $0x4;
	v63 =	vmul.f32 $1.000000000e+01, v4;
	[tilespmem:s26+$0xF0] =	vst v61  }
0x13b: {  	s28 =	sand.u32 $0xFFFF800, s28;
	[tilespmem:s26+$0x170] =	vst v62  }
0x13c: {  	s31 =	sadd.s32 s3, s28;
	[tilespmem:s26+$0xFFFFFE70] =	vst v63  }
0x13d: {  	[hbm4b:s31+s5] =	stream.linear.scatter [tilespmem:s17], [sflag:$0x5], $0x4000, $0x38;
	[tilespmem:$0x19900] =	vst v63  }
0x13e: {  	s26 =	smul.u32 $0x600, s24  }
0x13f: {  	_ =	swait.ge [sflag:s21], $0x4000  }
0x140: {  	[sflag:s21] =	ssyncset.done $0x0;
	s26 =	sshra.s32 s26, $0x2  }
0x141: {  	p0 =	seq.s32 s24, $0x0;
	[sflag:s21] =	ssyncadd.s32 $0xFFFFC000;
	s26 =	sadd.s32 $0x200, s26  }
0x142: {  	[tilespmem:s13], [sflag:$0x2] =	stream.indirect.gather [hbm4b:s1+s11], $0x80, s26, s11, $0xb8;
	[tilespmem:$0x19900] =	vst v63  }
0x143: {  	s26 =	simm.s32 @!p0 $0x6  }
0x144: {  	_ =	swait.ge @!p0 [sflag:s26], $0x4000  }
0x145: {  	[sflag:s26] =	ssyncset.done @!p0 $0x0  }
0x146: {  	s29 =	simm.s32 $0x9B00;
	[sflag:s26] =	ssyncadd.s32 @!p0 $0xFFFFC000  }
0x147: {  	v0 =	vld [tilespmem:s29+$0x180]  }
0x148: {  	v1 =	vld [tilespmem:s29+$0xFFFFFE80]  }
0x149: {  	v2 =	vld [tilespmem:s29+$0xFFFFFF00]  }
0x14a: {  	v3 =	vld [tilespmem:s29+$0xFFFFFF80]  }
0x14b: {  	v4 =	vld [tilespmem:s29+$0x0]  }
0x14c: {  	v5 =	vld [tilespmem:s29+$0x80];
	v0 =	vmul.f32 $1.000000000e+01, v0  }
0x14d: {  	s26 =	simm.s32 $0x15B00;
	v6 =	vld [tilespmem:s29+$0x100];
	v1 =	vmul.f32 $1.000000000e+01, v1  }
0x14e: {  	v7 =	vld [tilespmem:s29+$0xFFFFFE00];
	v2 =	vmul.f32 $1.000000000e+01, v2;
	[tilespmem:s26+$0x180] =	vst v0  }
0x14f: {  	[tilespmem:s26+$0xFFFFFE80] =	vst v1;
	v0 =	vmul.f32 $1.000000000e+01, v3;
	v1 =	vld [tilespmem:s29+$0x190]  }
0x150: {  	[tilespmem:s26+$0xFFFFFF00] =	vst v2;
	v2 =	vmul.f32 $1.000000000e+01, v4;
	v3 =	vld [tilespmem:s29+$0xFFFFFE90]  }
0x151: {  	v4 =	vld [tilespmem:s29+$0xFFFFFF10];
	[tilespmem:s26+$0xFFFFFF80] =	vst v0;
	v0 =	vmul.f32 $1.000000000e+01, v5  }
0x152: {  	[tilespmem:s26+$0x0] =	vst v2;
	v2 =	vmul.f32 $1.000000000e+01, v6;
	v5 =	vld [tilespmem:s29+$0xFFFFFF90]  }
0x153: {  	v6 =	vmul.f32 $1.000000000e+01, v7;
	v7 =	vld [tilespmem:s29+$0x10];
	[tilespmem:s26+$0x80] =	vst v0  }
0x154: {  	[tilespmem:s26+$0x100] =	vst v2;
	v0 =	vld [tilespmem:s29+$0x90];
	v1 =	vmul.f32 $1.000000000e+01, v1  }
0x155: {  	[tilespmem:s26+$0xFFFFFE00] =	vst v6;
	v2 =	vmul.f32 $1.000000000e+01, v3;
	v3 =	vld [tilespmem:s29+$0x110]  }
0x156: {  	v6 =	vld [tilespmem:s29+$0xFFFFFE10];
	v4 =	vmul.f32 $1.000000000e+01, v4;
	[tilespmem:s26+$0x190] =	vst v1  }
0x157: {  	[tilespmem:s26+$0xFFFFFE90] =	vst v2;
	v1 =	vmul.f32 $1.000000000e+01, v5;
	v2 =	vld [tilespmem:s29+$0x1A0]  }
0x158: {  	[tilespmem:s26+$0xFFFFFF10] =	vst v4;
	v4 =	vmul.f32 $1.000000000e+01, v7;
	v5 =	vld [tilespmem:s29+$0xFFFFFEA0]  }
0x159: {  	v7 =	vld [tilespmem:s29+$0xFFFFFF20];
	[tilespmem:s26+$0xFFFFFF90] =	vst v1;
	v0 =	vmul.f32 $1.000000000e+01, v0  }
0x15a: {  	[tilespmem:s26+$0x10] =	vst v4;
	v1 =	vld [tilespmem:s29+$0xFFFFFFA0];
	v3 =	vmul.f32 $1.000000000e+01, v3  }
0x15b: {  	v4 =	vmul.f32 $1.000000000e+01, v6;
	v6 =	vld [tilespmem:s29+$0x20];
	[tilespmem:s26+$0x90] =	vst v0  }
0x15c: {  	v0 =	vld [tilespmem:s29+$0xA0];
	[tilespmem:s26+$0x110] =	vst v3;
	v2 =	vmul.f32 $1.000000000e+01, v2  }
0x15d: {  	[tilespmem:s26+$0xFFFFFE10] =	vst v4;
	v3 =	vmul.f32 $1.000000000e+01, v5;
	v4 =	vld [tilespmem:s29+$0x120]  }
0x15e: {  	v5 =	vld [tilespmem:s29+$0xFFFFFE20];
	v7 =	vmul.f32 $1.000000000e+01, v7;
	[tilespmem:s26+$0x1A0] =	vst v2  }
0x15f: {  	[tilespmem:s26+$0xFFFFFEA0] =	vst v3;
	v1 =	vmul.f32 $1.000000000e+01, v1;
	v2 =	vld [tilespmem:s29+$0x1B0]  }
0x160: {  	[tilespmem:s26+$0xFFFFFF20] =	vst v7;
	v6 =	vmul.f32 $1.000000000e+01, v6;
	v3 =	vld [tilespmem:s29+$0xFFFFFEB0]  }
0x161: {  	v7 =	vld [tilespmem:s29+$0xFFFFFF30];
	[tilespmem:s26+$0xFFFFFFA0] =	vst v1;
	v0 =	vmul.f32 $1.000000000e+01, v0  }
0x162: {  	[tilespmem:s26+$0x20] =	vst v6;
	v1 =	vld [tilespmem:s29+$0xFFFFFFB0];
	v4 =	vmul.f32 $1.000000000e+01, v4  }
0x163: {  	v5 =	vmul.f32 $1.000000000e+01, v5;
	v6 =	vld [tilespmem:s29+$0x30];
	[tilespmem:s26+$0xA0] =	vst v0  }
0x164: {  	v0 =	vld [tilespmem:s29+$0xB0];
	[tilespmem:s26+$0x120] =	vst v4;
	v2 =	vmul.f32 $1.000000000e+01, v2  }
0x165: {  	[tilespmem:s26+$0xFFFFFE20] =	vst v5;
	v3 =	vmul.f32 $1.000000000e+01, v3;
	v4 =	vld [tilespmem:s29+$0x130]  }
0x166: {  	v5 =	vld [tilespmem:s29+$0xFFFFFE30];
	v7 =	vmul.f32 $1.000000000e+01, v7;
	[tilespmem:s26+$0x1B0] =	vst v2  }
0x167: {  	[tilespmem:s26+$0xFFFFFEB0] =	vst v3;
	v1 =	vmul.f32 $1.000000000e+01, v1;
	v2 =	vld [tilespmem:s29+$0x1C0]  }
0x168: {  	[tilespmem:s26+$0xFFFFFF30] =	vst v7;
	v6 =	vmul.f32 $1.000000000e+01, v6;
	v3 =	vld [tilespmem:s29+$0xFFFFFEC0]  }
0x169: {  	v7 =	vld [tilespmem:s29+$0xFFFFFF40];
	[tilespmem:s26+$0xFFFFFFB0] =	vst v1;
	v0 =	vmul.f32 $1.000000000e+01, v0  }
0x16a: {  	[tilespmem:s26+$0x30] =	vst v6;
	v1 =	vld [tilespmem:s29+$0xFFFFFFC0];
	v4 =	vmul.f32 $1.000000000e+01, v4  }
0x16b: {  	v5 =	vmul.f32 $1.000000000e+01, v5;
	v6 =	vld [tilespmem:s29+$0x40];
	[tilespmem:s26+$0xB0] =	vst v0  }
0x16c: {  	v0 =	vld [tilespmem:s29+$0xC0];
	[tilespmem:s26+$0x130] =	vst v4;
	v2 =	vmul.f32 $1.000000000e+01, v2  }
0x16d: {  	[tilespmem:s26+$0xFFFFFE30] =	vst v5;
	v3 =	vmul.f32 $1.000000000e+01, v3;
	v4 =	vld [tilespmem:s29+$0x140]  }
0x16e: {  	v5 =	vld [tilespmem:s29+$0xFFFFFE40];
	v7 =	vmul.f32 $1.000000000e+01, v7;
	[tilespmem:s26+$0x1C0] =	vst v2  }
0x16f: {  	[tilespmem:s26+$0xFFFFFEC0] =	vst v3;
	v1 =	vmul.f32 $1.000000000e+01, v1;
	v2 =	vld [tilespmem:s29+$0x1D0]  }
0x170: {  	[tilespmem:s26+$0xFFFFFF40] =	vst v7;
	v6 =	vmul.f32 $1.000000000e+01, v6;
	v3 =	vld [tilespmem:s29+$0xFFFFFED0]  }
0x171: {  	v7 =	vld [tilespmem:s29+$0xFFFFFF50];
	[tilespmem:s26+$0xFFFFFFC0] =	vst v1;
	v0 =	vmul.f32 $1.000000000e+01, v0  }
0x172: {  	[tilespmem:s26+$0x40] =	vst v6;
	v1 =	vld [tilespmem:s29+$0xFFFFFFD0];
	v4 =	vmul.f32 $1.000000000e+01, v4  }
0x173: {  	v5 =	vmul.f32 $1.000000000e+01, v5;
	v6 =	vld [tilespmem:s29+$0x50];
	[tilespmem:s26+$0xC0] =	vst v0  }
0x174: {  	v0 =	vld [tilespmem:s29+$0xD0];
	[tilespmem:s26+$0x140] =	vst v4;
	v2 =	vmul.f32 $1.000000000e+01, v2  }
0x175: {  	[tilespmem:s26+$0xFFFFFE40] =	vst v5;
	v3 =	vmul.f32 $1.000000000e+01, v3;
	v4 =	vld [tilespmem:s29+$0x150]  }
0x176: {  	v5 =	vld [tilespmem:s29+$0xFFFFFE50];
	v7 =	vmul.f32 $1.000000000e+01, v7;
	[tilespmem:s26+$0x1D0] =	vst v2  }
0x177: {  	[tilespmem:s26+$0xFFFFFED0] =	vst v3;
	v1 =	vmul.f32 $1.000000000e+01, v1;
	v2 =	vld [tilespmem:s29+$0x1E0]  }
0x178: {  	[tilespmem:s26+$0xFFFFFF50] =	vst v7;
	v6 =	vmul.f32 $1.000000000e+01, v6;
	v3 =	vld [tilespmem:s29+$0xFFFFFEE0]  }
0x179: {  	v7 =	vld [tilespmem:s29+$0xFFFFFF60];
	[tilespmem:s26+$0xFFFFFFD0] =	vst v1;
	v0 =	vmul.f32 $1.000000000e+01, v0  }
0x17a: {  	[tilespmem:s26+$0x50] =	vst v6;
	v1 =	vld [tilespmem:s29+$0xFFFFFFE0];
	v4 =	vmul.f32 $1.000000000e+01, v4  }
0x17b: {  	v5 =	vmul.f32 $1.000000000e+01, v5;
	v6 =	vld [tilespmem:s29+$0x60];
	[tilespmem:s26+$0xD0] =	vst v0  }
0x17c: {  	v0 =	vld [tilespmem:s29+$0xE0];
	[tilespmem:s26+$0x150] =	vst v4;
	v2 =	vmul.f32 $1.000000000e+01, v2  }
0x17d: {  	[tilespmem:s26+$0xFFFFFE50] =	vst v5;
	v3 =	vmul.f32 $1.000000000e+01, v3;
	v4 =	vld [tilespmem:s29+$0x160]  }
0x17e: {  	v5 =	vld [tilespmem:s29+$0xFFFFFE60];
	v7 =	vmul.f32 $1.000000000e+01, v7;
	[tilespmem:s26+$0x1E0] =	vst v2  }
0x17f: {  	[tilespmem:s26+$0xFFFFFEE0] =	vst v3;
	v1 =	vmul.f32 $1.000000000e+01, v1;
	v3 =	vld [tilespmem:s29+$0x1F0]  }
0x180: {  	[tilespmem:s26+$0xFFFFFF60] =	vst v7;
	v2 =	vmul.f32 $1.000000000e+01, v6;
	v8 =	vld [tilespmem:s29+$0xFFFFFEF0]  }
0x181: {  	v7 =	vld [tilespmem:s29+$0xFFFFFF70];
	[tilespmem:s26+$0xFFFFFFE0] =	vst v1;
	v1 =	vmul.f32 $1.000000000e+01, v0  }
0x182: {  	[tilespmem:s26+$0x60] =	vst v2;
	v0 =	vld [tilespmem:s29+$0xFFFFFFF0];
	v4 =	vmul.f32 $1.000000000e+01, v4  }
0x183: {  	v5 =	vmul.f32 $1.000000000e+01, v5;
	v2 =	vld [tilespmem:s29+$0x70];
	[tilespmem:s26+$0xE0] =	vst v1  }
0x184: {  	v1 =	vld [tilespmem:s29+$0xF0];
	[tilespmem:s26+$0x160] =	vst v4;
	v9 =	vmul.f32 $1.000000000e+01, v3  }
0x185: {  	[tilespmem:s26+$0xFFFFFE60] =	vst v5;
	v3 =	vld [tilespmem:s29+$0x170];
	v6 =	vmul.f32 $1.000000000e+01, v8  }
0x186: {  	s28 =	simm.s32 $0x0;
	v4 =	vld [tilespmem:s29+$0xFFFFFE70];
	v5 =	vmul.f32 $1.000000000e+01, v7;
	s29 =	simm.s32 $0x9F00;
	[tilespmem:s26+$0x1F0] =	vst v9  }
.LBB2_8:
0x187: {  	v7 =	vld [tilespmem:s29+$0x180];
	s28 =	sadd.s32 $0x8, s28;
	[tilespmem:s26+$0xFFFFFEF0] =	vst v6;
	v0 =	vmul.f32 $1.000000000e+01, v0  }
0x188: {  	v6 =	vld [tilespmem:s29+$0xFFFFFE80];
	p0 =	slt.u32 s28, $0x78;
	[tilespmem:s26+$0xFFFFFF70] =	vst v5;
	v2 =	vmul.f32 $1.000000000e+01, v2  }
0x189: {  	v5 =	vld [tilespmem:s29+$0xFFFFFF00];
	[tilespmem:s26+$0xFFFFFFF0] =	vst v0;
	v0 =	vmul.f32 $1.000000000e+01, v1  }
0x18a: {  	v1 =	vld [tilespmem:s29+$0xFFFFFF80];
	[tilespmem:s26+$0x70] =	vst v2;
	v2 =	vmul.f32 $1.000000000e+01, v3  }
0x18b: {  	v3 =	vld [tilespmem:s29+$0x0];
	v4 =	vmul.f32 $1.000000000e+01, v4;
	[tilespmem:s26+$0xF0] =	vst v0  }
0x18c: {  	v0 =	vld [tilespmem:s29+$0x80];
	v7 =	vmul.f32 $1.000000000e+01, v7;
	[tilespmem:s26+$0x170] =	vst v2  }
0x18d: {  	v2 =	vmul.f32 $1.000000000e+01, v6;
	v6 =	vld [tilespmem:s29+$0x100];
	[tilespmem:s26+$0xFFFFFE70] =	vst v4;
	s26 =	sadd.s32 $0x400, s26  }
0x18e: {  	v4 =	vld [tilespmem:s29+$0xFFFFFE00];
	v5 =	vmul.f32 $1.000000000e+01, v5;
	[tilespmem:s26+$0x180] =	vst v7  }
0x18f: {  	[tilespmem:s26+$0xFFFFFE80] =	vst v2;
	v1 =	vmul.f32 $1.000000000e+01, v1;
	v2 =	vld [tilespmem:s29+$0x190]  }
0x190: {  	v7 =	vld [tilespmem:s29+$0xFFFFFE90];
	[tilespmem:s26+$0xFFFFFF00] =	vst v5;
	v3 =	vmul.f32 $1.000000000e+01, v3  }
0x191: {  	v5 =	vld [tilespmem:s29+$0xFFFFFF10];
	[tilespmem:s26+$0xFFFFFF80] =	vst v1;
	v0 =	vmul.f32 $1.000000000e+01, v0  }
0x192: {  	v1 =	vld [tilespmem:s29+$0xFFFFFF90];
	[tilespmem:s26+$0x0] =	vst v3;
	v3 =	vmul.f32 $1.000000000e+01, v6  }
0x193: {  	v4 =	vmul.f32 $1.000000000e+01, v4;
	v6 =	vld [tilespmem:s29+$0x10];
	[tilespmem:s26+$0x80] =	vst v0  }
0x194: {  	v0 =	vld [tilespmem:s29+$0x90];
	[tilespmem:s26+$0x100] =	vst v3;
	v2 =	vmul.f32 $1.000000000e+01, v2  }
0x195: {  	[tilespmem:s26+$0xFFFFFE00] =	vst v4;
	v3 =	vmul.f32 $1.000000000e+01, v7;
	v4 =	vld [tilespmem:s29+$0x110]  }
0x196: {  	v7 =	vld [tilespmem:s29+$0xFFFFFE10];
	v5 =	vmul.f32 $1.000000000e+01, v5;
	[tilespmem:s26+$0x190] =	vst v2  }
0x197: {  	[tilespmem:s26+$0xFFFFFE90] =	vst v3;
	v1 =	vmul.f32 $1.000000000e+01, v1;
	v2 =	vld [tilespmem:s29+$0x1A0]  }
0x198: {  	v3 =	vld [tilespmem:s29+$0xFFFFFEA0];
	[tilespmem:s26+$0xFFFFFF10] =	vst v5;
	v5 =	vmul.f32 $1.000000000e+01, v6  }
0x199: {  	v6 =	vld [tilespmem:s29+$0xFFFFFF20];
	[tilespmem:s26+$0xFFFFFF90] =	vst v1;
	v0 =	vmul.f32 $1.000000000e+01, v0  }
0x19a: {  	v1 =	vld [tilespmem:s29+$0xFFFFFFA0];
	[tilespmem:s26+$0x10] =	vst v5;
	v4 =	vmul.f32 $1.000000000e+01, v4  }
0x19b: {  	v5 =	vmul.f32 $1.000000000e+01, v7;
	v7 =	vld [tilespmem:s29+$0x20];
	[tilespmem:s26+$0x90] =	vst v0  }
0x19c: {  	v0 =	vld [tilespmem:s29+$0xA0];
	[tilespmem:s26+$0x110] =	vst v4;
	v2 =	vmul.f32 $1.000000000e+01, v2  }
0x19d: {  	[tilespmem:s26+$0xFFFFFE10] =	vst v5;
	v3 =	vmul.f32 $1.000000000e+01, v3;
	v4 =	vld [tilespmem:s29+$0x120]  }
0x19e: {  	v5 =	vld [tilespmem:s29+$0xFFFFFE20];
	v6 =	vmul.f32 $1.000000000e+01, v6;
	[tilespmem:s26+$0x1A0] =	vst v2  }
0x19f: {  	[tilespmem:s26+$0xFFFFFEA0] =	vst v3;
	v1 =	vmul.f32 $1.000000000e+01, v1;
	v2 =	vld [tilespmem:s29+$0x1B0]  }
0x1a0: {  	v3 =	vld [tilespmem:s29+$0xFFFFFEB0];
	[tilespmem:s26+$0xFFFFFF20] =	vst v6;
	v6 =	vmul.f32 $1.000000000e+01, v7  }
0x1a1: {  	v7 =	vld [tilespmem:s29+$0xFFFFFF30];
	[tilespmem:s26+$0xFFFFFFA0] =	vst v1;
	v0 =	vmul.f32 $1.000000000e+01, v0  }
0x1a2: {  	v1 =	vld [tilespmem:s29+$0xFFFFFFB0];
	[tilespmem:s26+$0x20] =	vst v6;
	v4 =	vmul.f32 $1.000000000e+01, v4  }
0x1a3: {  	v5 =	vmul.f32 $1.000000000e+01, v5;
	v6 =	vld [tilespmem:s29+$0x30];
	[tilespmem:s26+$0xA0] =	vst v0  }
0x1a4: {  	v0 =	vld [tilespmem:s29+$0xB0];
	[tilespmem:s26+$0x120] =	vst v4;
	v2 =	vmul.f32 $1.000000000e+01, v2  }
0x1a5: {  	[tilespmem:s26+$0xFFFFFE20] =	vst v5;
	v3 =	vmul.f32 $1.000000000e+01, v3;
	v4 =	vld [tilespmem:s29+$0x130]  }
0x1a6: {  	v5 =	vld [tilespmem:s29+$0xFFFFFE30];
	v7 =	vmul.f32 $1.000000000e+01, v7;
	[tilespmem:s26+$0x1B0] =	vst v2  }
0x1a7: {  	[tilespmem:s26+$0xFFFFFEB0] =	vst v3;
	v1 =	vmul.f32 $1.000000000e+01, v1;
	v2 =	vld [tilespmem:s29+$0x1C0]  }
0x1a8: {  	v3 =	vld [tilespmem:s29+$0xFFFFFEC0];
	[tilespmem:s26+$0xFFFFFF30] =	vst v7;
	v6 =	vmul.f32 $1.000000000e+01, v6  }
0x1a9: {  	v7 =	vld [tilespmem:s29+$0xFFFFFF40];
	[tilespmem:s26+$0xFFFFFFB0] =	vst v1;
	v0 =	vmul.f32 $1.000000000e+01, v0  }
0x1aa: {  	v1 =	vld [tilespmem:s29+$0xFFFFFFC0];
	[tilespmem:s26+$0x30] =	vst v6;
	v4 =	vmul.f32 $1.000000000e+01, v4  }
0x1ab: {  	v5 =	vmul.f32 $1.000000000e+01, v5;
	v6 =	vld [tilespmem:s29+$0x40];
	[tilespmem:s26+$0xB0] =	vst v0  }
0x1ac: {  	v0 =	vld [tilespmem:s29+$0xC0];
	[tilespmem:s26+$0x130] =	vst v4;
	v2 =	vmul.f32 $1.000000000e+01, v2  }
0x1ad: {  	[tilespmem:s26+$0xFFFFFE30] =	vst v5;
	v3 =	vmul.f32 $1.000000000e+01, v3;
	v4 =	vld [tilespmem:s29+$0x140]  }
0x1ae: {  	v5 =	vld [tilespmem:s29+$0xFFFFFE40];
	v7 =	vmul.f32 $1.000000000e+01, v7;
	[tilespmem:s26+$0x1C0] =	vst v2  }
0x1af: {  	[tilespmem:s26+$0xFFFFFEC0] =	vst v3;
	v1 =	vmul.f32 $1.000000000e+01, v1;
	v2 =	vld [tilespmem:s29+$0x1D0]  }
0x1b0: {  	v3 =	vld [tilespmem:s29+$0xFFFFFED0];
	[tilespmem:s26+$0xFFFFFF40] =	vst v7;
	v6 =	vmul.f32 $1.000000000e+01, v6  }
0x1b1: {  	v7 =	vld [tilespmem:s29+$0xFFFFFF50];
	[tilespmem:s26+$0xFFFFFFC0] =	vst v1;
	v0 =	vmul.f32 $1.000000000e+01, v0  }
0x1b2: {  	v1 =	vld [tilespmem:s29+$0xFFFFFFD0];
	[tilespmem:s26+$0x40] =	vst v6;
	v4 =	vmul.f32 $1.000000000e+01, v4  }
0x1b3: {  	v5 =	vmul.f32 $1.000000000e+01, v5;
	v6 =	vld [tilespmem:s29+$0x50];
	[tilespmem:s26+$0xC0] =	vst v0  }
0x1b4: {  	v0 =	vld [tilespmem:s29+$0xD0];
	[tilespmem:s26+$0x140] =	vst v4;
	v2 =	vmul.f32 $1.000000000e+01, v2  }
0x1b5: {  	[tilespmem:s26+$0xFFFFFE40] =	vst v5;
	v3 =	vmul.f32 $1.000000000e+01, v3;
	v4 =	vld [tilespmem:s29+$0x150]  }
0x1b6: {  	v5 =	vld [tilespmem:s29+$0xFFFFFE50];
	v7 =	vmul.f32 $1.000000000e+01, v7;
	[tilespmem:s26+$0x1D0] =	vst v2  }
0x1b7: {  	[tilespmem:s26+$0xFFFFFED0] =	vst v3;
	v1 =	vmul.f32 $1.000000000e+01, v1;
	v2 =	vld [tilespmem:s29+$0x1E0]  }
0x1b8: {  	v3 =	vld [tilespmem:s29+$0xFFFFFEE0];
	[tilespmem:s26+$0xFFFFFF50] =	vst v7;
	v6 =	vmul.f32 $1.000000000e+01, v6  }
0x1b9: {  	v7 =	vld [tilespmem:s29+$0xFFFFFF60];
	[tilespmem:s26+$0xFFFFFFD0] =	vst v1;
	v0 =	vmul.f32 $1.000000000e+01, v0  }
0x1ba: {  	v1 =	vld [tilespmem:s29+$0xFFFFFFE0];
	[tilespmem:s26+$0x50] =	vst v6;
	v4 =	vmul.f32 $1.000000000e+01, v4  }
0x1bb: {  	v5 =	vmul.f32 $1.000000000e+01, v5;
	v6 =	vld [tilespmem:s29+$0x60];
	[tilespmem:s26+$0xD0] =	vst v0  }
0x1bc: {  	v0 =	vld [tilespmem:s29+$0xE0];
	[tilespmem:s26+$0x150] =	vst v4;
	v2 =	vmul.f32 $1.000000000e+01, v2  }
0x1bd: {  	[tilespmem:s26+$0xFFFFFE50] =	vst v5;
	v3 =	vmul.f32 $1.000000000e+01, v3;
	v4 =	vld [tilespmem:s29+$0x160]  }
0x1be: {  	v5 =	vld [tilespmem:s29+$0xFFFFFE60];
	v7 =	vmul.f32 $1.000000000e+01, v7;
	[tilespmem:s26+$0x1E0] =	vst v2  }
0x1bf: {  	[tilespmem:s26+$0xFFFFFEE0] =	vst v3;
	v1 =	vmul.f32 $1.000000000e+01, v1;
	v3 =	vld [tilespmem:s29+$0x1F0]  }
0x1c0: {  	v8 =	vld [tilespmem:s29+$0xFFFFFEF0];
	[tilespmem:s26+$0xFFFFFF60] =	vst v7;
	v2 =	vmul.f32 $1.000000000e+01, v6  }
0x1c1: {  	v7 =	vld [tilespmem:s29+$0xFFFFFF70];
	[tilespmem:s26+$0xFFFFFFE0] =	vst v1;
	v1 =	vmul.f32 $1.000000000e+01, v0  }
.Ltmp5:
0x1c2: {  	v0 =	vld [tilespmem:s29+$0xFFFFFFF0];
	[tilespmem:s26+$0x60] =	vst v2;
	v4 =	vmul.f32 $1.000000000e+01, v4;
	(pc) =	sbr.rel @p0 .LBB2_8-.Ltmp5, $4  }
0x1c3: {  	v5 =	vmul.f32 $1.000000000e+01, v5;
	v2 =	vld [tilespmem:s29+$0x70];
	[tilespmem:s26+$0xE0] =	vst v1  }
0x1c4: {  	v1 =	vld [tilespmem:s29+$0xF0];
	[tilespmem:s26+$0x160] =	vst v4;
	v9 =	vmul.f32 $1.000000000e+01, v3  }
0x1c5: {  	[tilespmem:s26+$0xFFFFFE60] =	vst v5;
	v6 =	vmul.f32 $1.000000000e+01, v8;
	v3 =	vld [tilespmem:s29+$0x170]  }
0x1c6: {  	v4 =	vld [tilespmem:s29+$0xFFFFFE70];
	v5 =	vmul.f32 $1.000000000e+01, v7;
	[tilespmem:s26+$0x1F0] =	vst v9;
	s29 =	sadd.s32 $0x400, s29  }
0x1c7: {  	[tilespmem:s26+$0xFFFFFEF0] =	vst v6;
	v0 =	vmul.f32 $1.000000000e+01, v0  }
0x1c8: {  	[tilespmem:s26+$0xFFFFFF70] =	vst v5;
	v2 =	vmul.f32 $1.000000000e+01, v2  }
0x1c9: {  	[tilespmem:s26+$0xFFFFFFF0] =	vst v0;
	v61 =	vmul.f32 $1.000000000e+01, v1  }
.Ltmp6:
0x1ca: {  	s25 =	sadd.s32 s25, s8;
	[tilespmem:s26+$0x70] =	vst v2;
	v62 =	vmul.f32 $1.000000000e+01, v3;
	(pc) =	sbr.rel .LBB2_2-.Ltmp6, $4  }
0x1cb: {  	s25 =	sshll.u32 s25, $0x4;
	v63 =	vmul.f32 $1.000000000e+01, v4;
	[tilespmem:s26+$0xF0] =	vst v61  }
0x1cc: {  	s25 =	sand.u32 $0xFFFF800, s25;
	[tilespmem:s26+$0x170] =	vst v62  }
0x1cd: {  	s24 =	sadd.s32 $0x1, s24;
	s25 =	sadd.s32 s3, s25;
	[tilespmem:s26+$0xFFFFFE70] =	vst v63  }
0x1ce: {  	[hbm4b:s25+s5] =	stream.linear.scatter [tilespmem:s22], [sflag:$0x6], $0x4000, $0x38;
	[tilespmem:$0x19900] =	vst v63  }
.LBB2_11:
0x1cf: {  	_ =	sfence.sel $0x180000  }
0x1d0: {  	[bflag:$0x0] =	sbarrier.arrive $0xFFFF  }
0x1d1: {  	p0 =	sne.s32 s0, $0x0;
	_ =	strace $0x90000047  }
0x1d2: {  	s0 =	sadd.s32 @!p0 $0x100000, s2;
	[bflag:$0x2] =	sbarrier.arrive $0xFFFF  }
0x1d3: {  	[sflag:s0] =	ssyncadd.tile.s32 @!p0 $0x1;
	_ =	shalt  }
.Lfunc_end2:
_tile_overlayer_lowered:
.L_overlay_start_2:
0x1d4: {  	(tag) =	ssettag $0x2  }
0x1d5: {  	s0 =	rddreg [dreg:$0x0];
	s2 =	stileid.u32  }
0x1d6: {  	s1 =	rddreg [dreg:$0x1];
	p0 =	sne.s32 s2, $0x0  }
0x1d7: {  	s3 =	rddreg [dreg:$0x2];
	[bflag:$0x3] =	sbarrier.arrive $0xFFFF;
	s2 =	simm.s32 @!p0 $0x1C07  }
0x1d8: {  	[timem:s3], [sflag:s2] =	dma.local @!p0 [hbm:s0], s1  }
0x1d9: {  	s0 =	simm.s32 @!p0 $0x7  }
0x1da: {  	_ =	swait.ge @!p0 [sflag:s0], s1  }
0x1db: {  	s1 =	ssub.s32 @!p0 $0x0, s1;
	[sflag:s0] =	ssyncset.done @!p0 $0x0  }
0x1dc: {  	[sflag:s0] =	ssyncadd.s32 @!p0 s1  }
0x1dd: {  	[bflag:$0x3] =	sbarrier.arrive $0xFFFF  }
0x1de: {  	_ =	shalt  }

</sc_bundles>
